<compile_context>
chip_gen: v7x
topology: tpu7x:2x2x1
jax: 0.10.2.dev20260603
libtpu: 0.0.44.dev20260713+nightly
codegen_flags: <defaults>
</compile_context>

<pallas_src>
import functools

import jax
import jax.numpy as jnp
from jax import lax
from jax.experimental import pallas as pl
from jax.experimental.pallas import tpu as pltpu
from jax.experimental.pallas import tpu_sc as plsc

VOCAB_SIZE = 100000
EMBED_DIM = 128
MAX_SEQ = 2048
BATCH = 4

_B = BATCH * MAX_SEQ
_INFO = plsc.get_sparse_core_info()
_NC = _INFO.num_cores
_NS = _INFO.num_subcores
_NW = _NC * _NS
_SPT = MAX_SEQ // _NW


@functools.partial(
    pl.kernel,
    mesh=plsc.VectorSubcoreMesh(core_axis_name="c", subcore_axis_name="s"),
    out_type=jax.ShapeDtypeStruct((_B, EMBED_DIM), jnp.float32),
    scratch_types=[
        pltpu.VMEM((BATCH * _SPT,), jnp.int32),
        pltpu.VMEM((BATCH * _SPT, EMBED_DIM), jnp.float32),
        pltpu.VMEM((_SPT, EMBED_DIM), jnp.float32),
        pltpu.SemaphoreType.DMA,
        pltpu.SemaphoreType.DMA,
        pltpu.SemaphoreType.DMA,
        pltpu.SemaphoreType.DMA,
    ],
)
def _sc_embed(idx_hbm, table_hbm, pos_hbm, out_hbm,
              idx_v, rows_v, pos_v, psem, wsem, gsem0, gsem1):
    wid = lax.axis_index("s") * _NC + lax.axis_index("c")
    col0 = wid * _SPT
    two = 2 * _SPT

    idx_cps = [
        pltpu.async_copy(idx_hbm.at[b, pl.ds(col0, _SPT)],
                         idx_v.at[pl.ds(b * _SPT, _SPT)], psem)
        for b in range(BATCH)
    ]
    for cp in idx_cps:
        cp.wait()

    pos_cp = pltpu.async_copy(pos_hbm.at[pl.ds(col0, _SPT)], pos_v, psem)
    gathers = []
    for j, gsem in enumerate((gsem0, gsem1)):
        gathers.append(pltpu.async_copy(
            table_hbm.at[idx_v.at[pl.ds(j * two, two)]],
            rows_v.at[pl.ds(j * two, two)],
            gsem))
    pos_cp.wait()

    writes = []
    half = _SPT // 2
    for j in range(2):
        gathers[j].wait()
        lo = j * two

        def add_row(i, carry):
            for k in range(EMBED_DIM // 16):
                sl = pl.ds(k * 16, 16)
                p = pos_v[i, sl]
                plsc.addupdate(rows_v.at[lo + i, sl], p)
                plsc.addupdate(rows_v.at[lo + _SPT + i, sl], p)
            return carry
        lax.fori_loop(0, _SPT, add_row, 0)
        for h in range(2):
            b = 2 * j + h
            writes.append(pltpu.async_copy(
                rows_v.at[pl.ds(b * _SPT, _SPT)],
                out_hbm.at[pl.ds(b * MAX_SEQ + col0, _SPT)],
                wsem))
    for cp in writes:
        cp.wait()


def kernel(tkn_ids, table, pos_encoding):
    idx = tkn_ids.astype(jnp.int32)
    pos = pos_encoding.reshape(MAX_SEQ, EMBED_DIM).astype(jnp.float32)
    out = _sc_embed(idx, table, pos)
    return out.reshape(BATCH, MAX_SEQ, EMBED_DIM)

# --- scband reference (transcript-rebuilt; emitter-appended) ---
"""Pipeline reference for scband-embedding-31009663877817 (READ-ONLY COPY).

The authoritative reference and input builder live on the scoring server;
editing this copy changes nothing except your own understanding.
"""

import jax, jax.numpy as jnp
import numpy as np

VOCAB_SIZE = 100000
EMBED_DIM = 128
MAX_SEQ = 2048
BATCH = 4
SCALE = 10000.0


def _positional_encoding(max_seq, d):
    pos = jnp.arange(max_seq, dtype=jnp.float32)[:, None]
    i = jnp.arange(d // 2, dtype=jnp.float32)[None, :]
    angle = pos / jnp.power(SCALE, 2.0 * i / d)
    pe = jnp.zeros((max_seq, d), dtype=jnp.float32)
    pe = pe.at[:, 0::2].set(jnp.sin(angle))
    pe = pe.at[:, 1::2].set(jnp.cos(angle))
    return pe[None, :, :]


def setup_inputs(seed: int = 0) -> dict:
    key = jax.random.key(seed)
    k1, k2 = jax.random.split(key)
    tkn_ids = jax.random.randint(k1, (BATCH, MAX_SEQ), 0, VOCAB_SIZE)
    table = jax.random.normal(k2, (VOCAB_SIZE, EMBED_DIM), dtype=jnp.float32)
    pos_encoding = _positional_encoding(MAX_SEQ, EMBED_DIM)
    return {"tkn_ids": tkn_ids, "table": table, "pos_encoding": pos_encoding}


def reference(tkn_ids, table, pos_encoding):
    # token embedding lookup (gather) + positional encoding broadcast-add
    x = jnp.take(table, tkn_ids, axis=0)
    return x + pos_encoding

if __name__ == "__main__":
    import jax
    _d = setup_inputs()
    print(jax.jit(kernel)(*tuple(_d.values())))

</pallas_src>

<mosaic_0001>
#map = affine_map<(d0, d1) -> (0, 0)>
module attributes {stable_mosaic.version = 14 : i64} {
  func.func @_sc_embed(%arg0: i32, %arg1: i32, %arg2: memref<4x2048xi32, #tpu.memory_space<hbm>>, %arg3: memref<100000x128xf32, #tpu.memory_space<hbm>>, %arg4: memref<2048x128xf32, #tpu.memory_space<hbm>>, %arg5: memref<8192x128xf32, #tpu.memory_space<hbm>>, %arg6: memref<256xi32, #tpu.memory_space<vmem>>, %arg7: memref<256x128xf32, #tpu.memory_space<vmem>>, %arg8: memref<64x128xf32, #tpu.memory_space<vmem>>, %arg9: memref<!tpu.dma_semaphore, #tpu.memory_space<semaphore_mem>>, %arg10: memref<!tpu.dma_semaphore, #tpu.memory_space<semaphore_mem>>, %arg11: memref<!tpu.dma_semaphore, #tpu.memory_space<semaphore_mem>>, %arg12: memref<!tpu.dma_semaphore, #tpu.memory_space<semaphore_mem>>) attributes {dimension_semantics = [#tpu.dimension_semantics<core_parallel>, #tpu.dimension_semantics<subcore_parallel>], iteration_bounds = array<i64: 2, 16>, scalar_prefetch = 0 : i64, scratch_operands = 7 : i64, tpu.core_type = #tpu.core_type<sc_vector_subcore>, window_params = [{transform_indices = #map}, {transform_indices = #map}, {transform_indices = #map}, {transform_indices = #map}]} {
    %mul3A = arith.constant 2 : i32
    %mul3A_0 = arith.muli %arg1, %mul3A : i32
    %add3A = arith.addi %mul3A_0, %arg0 : i32
    %mul3A_1 = arith.constant 64 : i32
    %mul3A_2 = arith.muli %add3A, %mul3A_1 : i32
    %dma_start3A = arith.constant 0 : i32
    %dma_start3A_3 = arith.constant 0 : i32
    %dma_start3A_4 = tpu.memref_slice %arg6[%dma_start3A_3] : memref<256xi32, #tpu.memory_space<vmem>> -> memref<64xi32, #tpu.memory_space<vmem>>
    %dma_start3A_5 = tpu.memref_slice %arg2[%dma_start3A, %mul3A_2] : memref<4x2048xi32, #tpu.memory_space<hbm>> -> memref<1x64xi32, #tpu.memory_space<hbm>>
    %dma_start3A_6 = tpu.memref_squeeze %dma_start3A_5 : memref<1x64xi32, #tpu.memory_space<hbm>> -> memref<64xi32, #tpu.memory_space<hbm>>
    %dma_start3A_7 = arith.constant 0 : i32
    %dma_start3A_8 = tpu.memref_slice %arg6[%dma_start3A_7] : memref<256xi32, #tpu.memory_space<vmem>> -> memref<64xi32, #tpu.memory_space<vmem>>
    %dma_start3A_9 = tpu.memref_slice %arg2[%dma_start3A, %mul3A_2] : memref<4x2048xi32, #tpu.memory_space<hbm>> -> memref<1x64xi32, #tpu.memory_space<hbm>>
    %dma_start3A_10 = tpu.memref_squeeze %dma_start3A_9 : memref<1x64xi32, #tpu.memory_space<hbm>> -> memref<64xi32, #tpu.memory_space<hbm>>
    tpu.enqueue_dma source(%dma_start3A_10 : memref<64xi32, #tpu.memory_space<hbm>>) target(%dma_start3A_8 : memref<64xi32, #tpu.memory_space<vmem>>) target_semaphore(%arg9 : memref<!tpu.dma_semaphore, #tpu.memory_space<semaphore_mem>>)
    %dma_start3A_11 = arith.constant 1 : i32
    %dma_start3A_12 = arith.constant 64 : i32
    %dma_start3A_13 = tpu.memref_slice %arg6[%dma_start3A_12] : memref<256xi32, #tpu.memory_space<vmem>> -> memref<64xi32, #tpu.memory_space<vmem>>
    %dma_start3A_14 = tpu.memref_slice %arg2[%dma_start3A_11, %mul3A_2] : memref<4x2048xi32, #tpu.memory_space<hbm>> -> memref<1x64xi32, #tpu.memory_space<hbm>>
    %dma_start3A_15 = tpu.memref_squeeze %dma_start3A_14 : memref<1x64xi32, #tpu.memory_space<hbm>> -> memref<64xi32, #tpu.memory_space<hbm>>
    %dma_start3A_16 = arith.constant 64 : i32
    %dma_start3A_17 = tpu.memref_slice %arg6[%dma_start3A_16] : memref<256xi32, #tpu.memory_space<vmem>> -> memref<64xi32, #tpu.memory_space<vmem>>
    %dma_start3A_18 = tpu.memref_slice %arg2[%dma_start3A_11, %mul3A_2] : memref<4x2048xi32, #tpu.memory_space<hbm>> -> memref<1x64xi32, #tpu.memory_space<hbm>>
    %dma_start3A_19 = tpu.memref_squeeze %dma_start3A_18 : memref<1x64xi32, #tpu.memory_space<hbm>> -> memref<64xi32, #tpu.memory_space<hbm>>
    tpu.enqueue_dma source(%dma_start3A_19 : memref<64xi32, #tpu.memory_space<hbm>>) target(%dma_start3A_17 : memref<64xi32, #tpu.memory_space<vmem>>) target_semaphore(%arg9 : memref<!tpu.dma_semaphore, #tpu.memory_space<semaphore_mem>>)
    %dma_start3A_20 = arith.constant 2 : i32
    %dma_start3A_21 = arith.constant 128 : i32
    %dma_start3A_22 = tpu.memref_slice %arg6[%dma_start3A_21] : memref<256xi32, #tpu.memory_space<vmem>> -> memref<64xi32, #tpu.memory_space<vmem>>
    %dma_start3A_23 = tpu.memref_slice %arg2[%dma_start3A_20, %mul3A_2] : memref<4x2048xi32, #tpu.memory_space<hbm>> -> memref<1x64xi32, #tpu.memory_space<hbm>>
    %dma_start3A_24 = tpu.memref_squeeze %dma_start3A_23 : memref<1x64xi32, #tpu.memory_space<hbm>> -> memref<64xi32, #tpu.memory_space<hbm>>
    %dma_start3A_25 = arith.constant 128 : i32
    %dma_start3A_26 = tpu.memref_slice %arg6[%dma_start3A_25] : memref<256xi32, #tpu.memory_space<vmem>> -> memref<64xi32, #tpu.memory_space<vmem>>
    %dma_start3A_27 = tpu.memref_slice %arg2[%dma_start3A_20, %mul3A_2] : memref<4x2048xi32, #tpu.memory_space<hbm>> -> memref<1x64xi32, #tpu.memory_space<hbm>>
    %dma_start3A_28 = tpu.memref_squeeze %dma_start3A_27 : memref<1x64xi32, #tpu.memory_space<hbm>> -> memref<64xi32, #tpu.memory_space<hbm>>
    tpu.enqueue_dma source(%dma_start3A_28 : memref<64xi32, #tpu.memory_space<hbm>>) target(%dma_start3A_26 : memref<64xi32, #tpu.memory_space<vmem>>) target_semaphore(%arg9 : memref<!tpu.dma_semaphore, #tpu.memory_space<semaphore_mem>>)
    %dma_start3A_29 = arith.constant 3 : i32
    %dma_start3A_30 = arith.constant 192 : i32
    %dma_start3A_31 = tpu.memref_slice %arg6[%dma_start3A_30] : memref<256xi32, #tpu.memory_space<vmem>> -> memref<64xi32, #tpu.memory_space<vmem>>
    %dma_start3A_32 = tpu.memref_slice %arg2[%dma_start3A_29, %mul3A_2] : memref<4x2048xi32, #tpu.memory_space<hbm>> -> memref<1x64xi32, #tpu.memory_space<hbm>>
    %dma_start3A_33 = tpu.memref_squeeze %dma_start3A_32 : memref<1x64xi32, #tpu.memory_space<hbm>> -> memref<64xi32, #tpu.memory_space<hbm>>
    %dma_start3A_34 = arith.constant 192 : i32
    %dma_start3A_35 = tpu.memref_slice %arg6[%dma_start3A_34] : memref<256xi32, #tpu.memory_space<vmem>> -> memref<64xi32, #tpu.memory_space<vmem>>
    %dma_start3A_36 = tpu.memref_slice %arg2[%dma_start3A_29, %mul3A_2] : memref<4x2048xi32, #tpu.memory_space<hbm>> -> memref<1x64xi32, #tpu.memory_space<hbm>>
    %dma_start3A_37 = tpu.memref_squeeze %dma_start3A_36 : memref<1x64xi32, #tpu.memory_space<hbm>> -> memref<64xi32, #tpu.memory_space<hbm>>
    tpu.enqueue_dma source(%dma_start3A_37 : memref<64xi32, #tpu.memory_space<hbm>>) target(%dma_start3A_35 : memref<64xi32, #tpu.memory_space<vmem>>) target_semaphore(%arg9 : memref<!tpu.dma_semaphore, #tpu.memory_space<semaphore_mem>>)
    %dma_wait3A = arith.constant 0 : i32
    %dma_wait3A_38 = arith.constant 0 : i32
    %dma_wait3A_39 = tpu.memref_slice %arg6[%dma_wait3A_38] : memref<256xi32, #tpu.memory_space<vmem>> -> memref<64xi32, #tpu.memory_space<vmem>>
    %dma_wait3A_40 = tpu.memref_slice %arg2[%dma_wait3A, %mul3A_2] : memref<4x2048xi32, #tpu.memory_space<hbm>> -> memref<1x64xi32, #tpu.memory_space<hbm>>
    %dma_wait3A_41 = tpu.memref_squeeze %dma_wait3A_40 : memref<1x64xi32, #tpu.memory_space<hbm>> -> memref<64xi32, #tpu.memory_space<hbm>>
    %dma_wait3A_42 = arith.constant 0 : i32
    %dma_wait3A_43 = tpu.memref_slice %arg6[%dma_wait3A_42] : memref<256xi32, #tpu.memory_space<vmem>> -> memref<64xi32, #tpu.memory_space<vmem>>
    %dma_wait3A_44 = tpu.memref_slice %arg2[%dma_wait3A, %mul3A_2] : memref<4x2048xi32, #tpu.memory_space<hbm>> -> memref<1x64xi32, #tpu.memory_space<hbm>>
    %dma_wait3A_45 = tpu.memref_squeeze %dma_wait3A_44 : memref<1x64xi32, #tpu.memory_space<hbm>> -> memref<64xi32, #tpu.memory_space<hbm>>
    tpu.wait_dma2 semaphore(%arg9 : memref<!tpu.dma_semaphore, #tpu.memory_space<semaphore_mem>>) src(%dma_wait3A_45 : memref<64xi32, #tpu.memory_space<hbm>>) dst(%dma_wait3A_43 : memref<64xi32, #tpu.memory_space<vmem>>)
    %dma_wait3A_46 = arith.constant 1 : i32
    %dma_wait3A_47 = arith.constant 64 : i32
    %dma_wait3A_48 = tpu.memref_slice %arg6[%dma_wait3A_47] : memref<256xi32, #tpu.memory_space<vmem>> -> memref<64xi32, #tpu.memory_space<vmem>>
    %dma_wait3A_49 = tpu.memref_slice %arg2[%dma_wait3A_46, %mul3A_2] : memref<4x2048xi32, #tpu.memory_space<hbm>> -> memref<1x64xi32, #tpu.memory_space<hbm>>
    %dma_wait3A_50 = tpu.memref_squeeze %dma_wait3A_49 : memref<1x64xi32, #tpu.memory_space<hbm>> -> memref<64xi32, #tpu.memory_space<hbm>>
    %dma_wait3A_51 = arith.constant 64 : i32
    %dma_wait3A_52 = tpu.memref_slice %arg6[%dma_wait3A_51] : memref<256xi32, #tpu.memory_space<vmem>> -> memref<64xi32, #tpu.memory_space<vmem>>
    %dma_wait3A_53 = tpu.memref_slice %arg2[%dma_wait3A_46, %mul3A_2] : memref<4x2048xi32, #tpu.memory_space<hbm>> -> memref<1x64xi32, #tpu.memory_space<hbm>>
    %dma_wait3A_54 = tpu.memref_squeeze %dma_wait3A_53 : memref<1x64xi32, #tpu.memory_space<hbm>> -> memref<64xi32, #tpu.memory_space<hbm>>
    tpu.wait_dma2 semaphore(%arg9 : memref<!tpu.dma_semaphore, #tpu.memory_space<semaphore_mem>>) src(%dma_wait3A_54 : memref<64xi32, #tpu.memory_space<hbm>>) dst(%dma_wait3A_52 : memref<64xi32, #tpu.memory_space<vmem>>)
    %dma_wait3A_55 = arith.constant 2 : i32
    %dma_wait3A_56 = arith.constant 128 : i32
    %dma_wait3A_57 = tpu.memref_slice %arg6[%dma_wait3A_56] : memref<256xi32, #tpu.memory_space<vmem>> -> memref<64xi32, #tpu.memory_space<vmem>>
    %dma_wait3A_58 = tpu.memref_slice %arg2[%dma_wait3A_55, %mul3A_2] : memref<4x2048xi32, #tpu.memory_space<hbm>> -> memref<1x64xi32, #tpu.memory_space<hbm>>
    %dma_wait3A_59 = tpu.memref_squeeze %dma_wait3A_58 : memref<1x64xi32, #tpu.memory_space<hbm>> -> memref<64xi32, #tpu.memory_space<hbm>>
    %dma_wait3A_60 = arith.constant 128 : i32
    %dma_wait3A_61 = tpu.memref_slice %arg6[%dma_wait3A_60] : memref<256xi32, #tpu.memory_space<vmem>> -> memref<64xi32, #tpu.memory_space<vmem>>
    %dma_wait3A_62 = tpu.memref_slice %arg2[%dma_wait3A_55, %mul3A_2] : memref<4x2048xi32, #tpu.memory_space<hbm>> -> memref<1x64xi32, #tpu.memory_space<hbm>>
    %dma_wait3A_63 = tpu.memref_squeeze %dma_wait3A_62 : memref<1x64xi32, #tpu.memory_space<hbm>> -> memref<64xi32, #tpu.memory_space<hbm>>
    tpu.wait_dma2 semaphore(%arg9 : memref<!tpu.dma_semaphore, #tpu.memory_space<semaphore_mem>>) src(%dma_wait3A_63 : memref<64xi32, #tpu.memory_space<hbm>>) dst(%dma_wait3A_61 : memref<64xi32, #tpu.memory_space<vmem>>)
    %dma_wait3A_64 = arith.constant 3 : i32
    %dma_wait3A_65 = arith.constant 192 : i32
    %dma_wait3A_66 = tpu.memref_slice %arg6[%dma_wait3A_65] : memref<256xi32, #tpu.memory_space<vmem>> -> memref<64xi32, #tpu.memory_space<vmem>>
    %dma_wait3A_67 = tpu.memref_slice %arg2[%dma_wait3A_64, %mul3A_2] : memref<4x2048xi32, #tpu.memory_space<hbm>> -> memref<1x64xi32, #tpu.memory_space<hbm>>
    %dma_wait3A_68 = tpu.memref_squeeze %dma_wait3A_67 : memref<1x64xi32, #tpu.memory_space<hbm>> -> memref<64xi32, #tpu.memory_space<hbm>>
    %dma_wait3A_69 = arith.constant 192 : i32
    %dma_wait3A_70 = tpu.memref_slice %arg6[%dma_wait3A_69] : memref<256xi32, #tpu.memory_space<vmem>> -> memref<64xi32, #tpu.memory_space<vmem>>
    %dma_wait3A_71 = tpu.memref_slice %arg2[%dma_wait3A_64, %mul3A_2] : memref<4x2048xi32, #tpu.memory_space<hbm>> -> memref<1x64xi32, #tpu.memory_space<hbm>>
    %dma_wait3A_72 = tpu.memref_squeeze %dma_wait3A_71 : memref<1x64xi32, #tpu.memory_space<hbm>> -> memref<64xi32, #tpu.memory_space<hbm>>
    tpu.wait_dma2 semaphore(%arg9 : memref<!tpu.dma_semaphore, #tpu.memory_space<semaphore_mem>>) src(%dma_wait3A_72 : memref<64xi32, #tpu.memory_space<hbm>>) dst(%dma_wait3A_70 : memref<64xi32, #tpu.memory_space<vmem>>)
    %dma_start3A_73 = arith.constant 0 : i32
    %dma_start3A_74 = tpu.memref_slice %arg4[%mul3A_2, %dma_start3A_73] : memref<2048x128xf32, #tpu.memory_space<hbm>> -> memref<64x128xf32, #tpu.memory_space<hbm>>
    %dma_start3A_75 = arith.constant 0 : i32
    %dma_start3A_76 = tpu.memref_slice %arg4[%mul3A_2, %dma_start3A_75] : memref<2048x128xf32, #tpu.memory_space<hbm>> -> memref<64x128xf32, #tpu.memory_space<hbm>>
    tpu.enqueue_dma source(%dma_start3A_76 : memref<64x128xf32, #tpu.memory_space<hbm>>) target(%arg8 : memref<64x128xf32, #tpu.memory_space<vmem>>) target_semaphore(%arg9 : memref<!tpu.dma_semaphore, #tpu.memory_space<semaphore_mem>>)
    %dma_start3A_77 = arith.constant 0 : i32
    %dma_start3A_78 = arith.constant 0 : i32
    %dma_start3A_79 = tpu.memref_slice %arg7[%dma_start3A_77, %dma_start3A_78] : memref<256x128xf32, #tpu.memory_space<vmem>> -> memref<128x128xf32, #tpu.memory_space<vmem>>
    %dma_start3A_80 = arith.constant 0 : i32
    %dma_start3A_81 = tpu.memref_slice %arg6[%dma_start3A_80] : memref<256xi32, #tpu.memory_space<vmem>> -> memref<128xi32, #tpu.memory_space<vmem>>
    %dma_start3A_82 = arith.constant 0 : i32
    %dma_start3A_83 = arith.constant 0 : i32
    %dma_start3A_84 = tpu.memref_slice %arg3[%dma_start3A_82, %dma_start3A_83] : memref<100000x128xf32, #tpu.memory_space<hbm>> -> memref<100000x128xf32, #tpu.memory_space<hbm>>
    tpu.enqueue_indirect_dma source(%dma_start3A_84 : memref<100000x128xf32, #tpu.memory_space<hbm>>) target(%dma_start3A_79 : memref<128x128xf32, #tpu.memory_space<vmem>>) offsets(%dma_start3A_81 : memref<128xi32, #tpu.memory_space<vmem>>) semaphore(%arg11 : memref<!tpu.dma_semaphore, #tpu.memory_space<semaphore_mem>>)
    %dma_start3A_85 = arith.constant 128 : i32
    %dma_start3A_86 = arith.constant 0 : i32
    %dma_start3A_87 = tpu.memref_slice %arg7[%dma_start3A_85, %dma_start3A_86] : memref<256x128xf32, #tpu.memory_space<vmem>> -> memref<128x128xf32, #tpu.memory_space<vmem>>
    %dma_start3A_88 = arith.constant 128 : i32
    %dma_start3A_89 = tpu.memref_slice %arg6[%dma_start3A_88] : memref<256xi32, #tpu.memory_space<vmem>> -> memref<128xi32, #tpu.memory_space<vmem>>
    %dma_start3A_90 = arith.constant 0 : i32
    %dma_start3A_91 = arith.constant 0 : i32
    %dma_start3A_92 = tpu.memref_slice %arg3[%dma_start3A_90, %dma_start3A_91] : memref<100000x128xf32, #tpu.memory_space<hbm>> -> memref<100000x128xf32, #tpu.memory_space<hbm>>
    tpu.enqueue_indirect_dma source(%dma_start3A_92 : memref<100000x128xf32, #tpu.memory_space<hbm>>) target(%dma_start3A_87 : memref<128x128xf32, #tpu.memory_space<vmem>>) offsets(%dma_start3A_89 : memref<128xi32, #tpu.memory_space<vmem>>) semaphore(%arg12 : memref<!tpu.dma_semaphore, #tpu.memory_space<semaphore_mem>>)
    %dma_wait3A_93 = arith.constant 0 : i32
    %dma_wait3A_94 = tpu.memref_slice %arg4[%mul3A_2, %dma_wait3A_93] : memref<2048x128xf32, #tpu.memory_space<hbm>> -> memref<64x128xf32, #tpu.memory_space<hbm>>
    %dma_wait3A_95 = arith.constant 0 : i32
    %dma_wait3A_96 = tpu.memref_slice %arg4[%mul3A_2, %dma_wait3A_95] : memref<2048x128xf32, #tpu.memory_space<hbm>> -> memref<64x128xf32, #tpu.memory_space<hbm>>
    tpu.wait_dma2 semaphore(%arg9 : memref<!tpu.dma_semaphore, #tpu.memory_space<semaphore_mem>>) src(%dma_wait3A_96 : memref<64x128xf32, #tpu.memory_space<hbm>>) dst(%arg8 : memref<64x128xf32, #tpu.memory_space<vmem>>)
    %dma_wait3A_97 = arith.constant 0 : i32
    %dma_wait3A_98 = arith.constant 0 : i32
    %dma_wait3A_99 = tpu.memref_slice %arg7[%dma_wait3A_97, %dma_wait3A_98] : memref<256x128xf32, #tpu.memory_space<vmem>> -> memref<128x128xf32, #tpu.memory_space<vmem>>
    %dma_wait3A_100 = arith.constant 0 : i32
    %dma_wait3A_101 = tpu.memref_slice %arg6[%dma_wait3A_100] : memref<256xi32, #tpu.memory_space<vmem>> -> memref<128xi32, #tpu.memory_space<vmem>>
    %dma_wait3A_102 = arith.constant 0 : i32
    %dma_wait3A_103 = arith.constant 0 : i32
    %dma_wait3A_104 = tpu.memref_slice %arg3[%dma_wait3A_102, %dma_wait3A_103] : memref<100000x128xf32, #tpu.memory_space<hbm>> -> memref<100000x128xf32, #tpu.memory_space<hbm>>
    tpu.wait_indirect_dma semaphore(%arg11 : memref<!tpu.dma_semaphore, #tpu.memory_space<semaphore_mem>>) src(%dma_wait3A_104 : memref<100000x128xf32, #tpu.memory_space<hbm>>) dst(%dma_wait3A_99 : memref<128x128xf32, #tpu.memory_space<vmem>>)
    %scan3A = arith.constant 0 : i32
    %scan3A_105 = arith.constant 0 : i32
    %scan3A_106 = arith.constant 64 : i32
    %scan3A_107 = arith.addi %scan3A_105, %scan3A_106 : i32
    %scan3A_108 = arith.constant 1 : i32
    scf.for %scan3A_212 = %scan3A_105 to %scan3A_107 step %scan3A_108  : i32 {
      %get3A = arith.index_cast %scan3A_212 : i32 to index
      %get3A_213 = arith.constant 0 : index
      %get3A_214 = tpu.vector_load %arg8[%get3A, %get3A_213] {strides = array<i32>} : memref<64x128xf32, #tpu.memory_space<vmem>>, vector<1x16xf32>,
      %get3A_215 = vector.shape_cast %get3A_214 : vector<1x16xf32> to vector<16xf32>
      %add3A_216 = arith.constant 0 : i32
      %add3A_217 = arith.addi %add3A_216, %scan3A_212 : i32
      %swap3A = arith.index_cast %add3A_217 : i32 to index
      %swap3A_218 = arith.constant 0 : index
      %swap3A_219 = tpu.vector_load %arg7[%swap3A, %swap3A_218] {strides = array<i32>} : memref<256x128xf32, #tpu.memory_space<vmem>>, vector<1x16xf32>,
      %swap3A_220 = vector.shape_cast %swap3A_219 : vector<1x16xf32> to vector<16xf32>
      %swap3A_221 = vector.shape_cast %get3A_215 : vector<16xf32> to vector<1x16xf32>
      tpu.vector_store %arg7[%swap3A, %swap3A_218], %swap3A_221 {add = true, strides = array<i32>} : memref<256x128xf32, #tpu.memory_space<vmem>>, vector<1x16xf32>,
      %add3A_222 = arith.constant 64 : i32
      %add3A_223 = arith.addi %add3A_222, %scan3A_212 : i32
      %swap3A_224 = arith.index_cast %add3A_223 : i32 to index
      %swap3A_225 = arith.constant 0 : index
      %swap3A_226 = tpu.vector_load %arg7[%swap3A_224, %swap3A_225] {strides = array<i32>} : memref<256x128xf32, #tpu.memory_space<vmem>>, vector<1x16xf32>,
      %swap3A_227 = vector.shape_cast %swap3A_226 : vector<1x16xf32> to vector<16xf32>
      %swap3A_228 = vector.shape_cast %get3A_215 : vector<16xf32> to vector<1x16xf32>
      tpu.vector_store %arg7[%swap3A_224, %swap3A_225], %swap3A_228 {add = true, strides = array<i32>} : memref<256x128xf32, #tpu.memory_space<vmem>>, vector<1x16xf32>,
      %get3A_229 = arith.index_cast %scan3A_212 : i32 to index
      %get3A_230 = arith.constant 16 : index
      %get3A_231 = tpu.vector_load %arg8[%get3A_229, %get3A_230] {strides = array<i32>} : memref<64x128xf32, #tpu.memory_space<vmem>>, vector<1x16xf32>,
      %get3A_232 = vector.shape_cast %get3A_231 : vector<1x16xf32> to vector<16xf32>
      %add3A_233 = arith.constant 0 : i32
      %add3A_234 = arith.addi %add3A_233, %scan3A_212 : i32
      %swap3A_235 = arith.index_cast %add3A_234 : i32 to index
      %swap3A_236 = arith.constant 16 : index
      %swap3A_237 = tpu.vector_load %arg7[%swap3A_235, %swap3A_236] {strides = array<i32>} : memref<256x128xf32, #tpu.memory_space<vmem>>, vector<1x16xf32>,
      %swap3A_238 = vector.shape_cast %swap3A_237 : vector<1x16xf32> to vector<16xf32>
      %swap3A_239 = vector.shape_cast %get3A_232 : vector<16xf32> to vector<1x16xf32>
      tpu.vector_store %arg7[%swap3A_235, %swap3A_236], %swap3A_239 {add = true, strides = array<i32>} : memref<256x128xf32, #tpu.memory_space<vmem>>, vector<1x16xf32>,
      %add3A_240 = arith.constant 64 : i32
      %add3A_241 = arith.addi %add3A_240, %scan3A_212 : i32
      %swap3A_242 = arith.index_cast %add3A_241 : i32 to index
      %swap3A_243 = arith.constant 16 : index
      %swap3A_244 = tpu.vector_load %arg7[%swap3A_242, %swap3A_243] {strides = array<i32>} : memref<256x128xf32, #tpu.memory_space<vmem>>, vector<1x16xf32>,
      %swap3A_245 = vector.shape_cast %swap3A_244 : vector<1x16xf32> to vector<16xf32>
      %swap3A_246 = vector.shape_cast %get3A_232 : vector<16xf32> to vector<1x16xf32>
      tpu.vector_store %arg7[%swap3A_242, %swap3A_243], %swap3A_246 {add = true, strides = array<i32>} : memref<256x128xf32, #tpu.memory_space<vmem>>, vector<1x16xf32>,
      %get3A_247 = arith.index_cast %scan3A_212 : i32 to index
      %get3A_248 = arith.constant 32 : index
      %get3A_249 = tpu.vector_load %arg8[%get3A_247, %get3A_248] {strides = array<i32>} : memref<64x128xf32, #tpu.memory_space<vmem>>, vector<1x16xf32>,
      %get3A_250 = vector.shape_cast %get3A_249 : vector<1x16xf32> to vector<16xf32>
      %add3A_251 = arith.constant 0 : i32
      %add3A_252 = arith.addi %add3A_251, %scan3A_212 : i32
      %swap3A_253 = arith.index_cast %add3A_252 : i32 to index
      %swap3A_254 = arith.constant 32 : index
      %swap3A_255 = tpu.vector_load %arg7[%swap3A_253, %swap3A_254] {strides = array<i32>} : memref<256x128xf32, #tpu.memory_space<vmem>>, vector<1x16xf32>,
      %swap3A_256 = vector.shape_cast %swap3A_255 : vector<1x16xf32> to vector<16xf32>
      %swap3A_257 = vector.shape_cast %get3A_250 : vector<16xf32> to vector<1x16xf32>
      tpu.vector_store %arg7[%swap3A_253, %swap3A_254], %swap3A_257 {add = true, strides = array<i32>} : memref<256x128xf32, #tpu.memory_space<vmem>>, vector<1x16xf32>,
      %add3A_258 = arith.constant 64 : i32
      %add3A_259 = arith.addi %add3A_258, %scan3A_212 : i32
      %swap3A_260 = arith.index_cast %add3A_259 : i32 to index
      %swap3A_261 = arith.constant 32 : index
      %swap3A_262 = tpu.vector_load %arg7[%swap3A_260, %swap3A_261] {strides = array<i32>} : memref<256x128xf32, #tpu.memory_space<vmem>>, vector<1x16xf32>,
      %swap3A_263 = vector.shape_cast %swap3A_262 : vector<1x16xf32> to vector<16xf32>
      %swap3A_264 = vector.shape_cast %get3A_250 : vector<16xf32> to vector<1x16xf32>
      tpu.vector_store %arg7[%swap3A_260, %swap3A_261], %swap3A_264 {add = true, strides = array<i32>} : memref<256x128xf32, #tpu.memory_space<vmem>>, vector<1x16xf32>,
      %get3A_265 = arith.index_cast %scan3A_212 : i32 to index
      %get3A_266 = arith.constant 48 : index
      %get3A_267 = tpu.vector_load %arg8[%get3A_265, %get3A_266] {strides = array<i32>} : memref<64x128xf32, #tpu.memory_space<vmem>>, vector<1x16xf32>,
      %get3A_268 = vector.shape_cast %get3A_267 : vector<1x16xf32> to vector<16xf32>
      %add3A_269 = arith.constant 0 : i32
      %add3A_270 = arith.addi %add3A_269, %scan3A_212 : i32
      %swap3A_271 = arith.index_cast %add3A_270 : i32 to index
      %swap3A_272 = arith.constant 48 : index
      %swap3A_273 = tpu.vector_load %arg7[%swap3A_271, %swap3A_272] {strides = array<i32>} : memref<256x128xf32, #tpu.memory_space<vmem>>, vector<1x16xf32>,
      %swap3A_274 = vector.shape_cast %swap3A_273 : vector<1x16xf32> to vector<16xf32>
      %swap3A_275 = vector.shape_cast %get3A_268 : vector<16xf32> to vector<1x16xf32>
      tpu.vector_store %arg7[%swap3A_271, %swap3A_272], %swap3A_275 {add = true, strides = array<i32>} : memref<256x128xf32, #tpu.memory_space<vmem>>, vector<1x16xf32>,
      %add3A_276 = arith.constant 64 : i32
      %add3A_277 = arith.addi %add3A_276, %scan3A_212 : i32
      %swap3A_278 = arith.index_cast %add3A_277 : i32 to index
      %swap3A_279 = arith.constant 48 : index
      %swap3A_280 = tpu.vector_load %arg7[%swap3A_278, %swap3A_279] {strides = array<i32>} : memref<256x128xf32, #tpu.memory_space<vmem>>, vector<1x16xf32>,
      %swap3A_281 = vector.shape_cast %swap3A_280 : vector<1x16xf32> to vector<16xf32>
      %swap3A_282 = vector.shape_cast %get3A_268 : vector<16xf32> to vector<1x16xf32>
      tpu.vector_store %arg7[%swap3A_278, %swap3A_279], %swap3A_282 {add = true, strides = array<i32>} : memref<256x128xf32, #tpu.memory_space<vmem>>, vector<1x16xf32>,
      %get3A_283 = arith.index_cast %scan3A_212 : i32 to index
      %get3A_284 = arith.constant 64 : index
      %get3A_285 = tpu.vector_load %arg8[%get3A_283, %get3A_284] {strides = array<i32>} : memref<64x128xf32, #tpu.memory_space<vmem>>, vector<1x16xf32>,
      %get3A_286 = vector.shape_cast %get3A_285 : vector<1x16xf32> to vector<16xf32>
      %add3A_287 = arith.constant 0 : i32
      %add3A_288 = arith.addi %add3A_287, %scan3A_212 : i32
      %swap3A_289 = arith.index_cast %add3A_288 : i32 to index
      %swap3A_290 = arith.constant 64 : index
      %swap3A_291 = tpu.vector_load %arg7[%swap3A_289, %swap3A_290] {strides = array<i32>} : memref<256x128xf32, #tpu.memory_space<vmem>>, vector<1x16xf32>,
      %swap3A_292 = vector.shape_cast %swap3A_291 : vector<1x16xf32> to vector<16xf32>
      %swap3A_293 = vector.shape_cast %get3A_286 : vector<16xf32> to vector<1x16xf32>
      tpu.vector_store %arg7[%swap3A_289, %swap3A_290], %swap3A_293 {add = true, strides = array<i32>} : memref<256x128xf32, #tpu.memory_space<vmem>>, vector<1x16xf32>,
      %add3A_294 = arith.constant 64 : i32
      %add3A_295 = arith.addi %add3A_294, %scan3A_212 : i32
      %swap3A_296 = arith.index_cast %add3A_295 : i32 to index
      %swap3A_297 = arith.constant 64 : index
      %swap3A_298 = tpu.vector_load %arg7[%swap3A_296, %swap3A_297] {strides = array<i32>} : memref<256x128xf32, #tpu.memory_space<vmem>>, vector<1x16xf32>,
      %swap3A_299 = vector.shape_cast %swap3A_298 : vector<1x16xf32> to vector<16xf32>
      %swap3A_300 = vector.shape_cast %get3A_286 : vector<16xf32> to vector<1x16xf32>
      tpu.vector_store %arg7[%swap3A_296, %swap3A_297], %swap3A_300 {add = true, strides = array<i32>} : memref<256x128xf32, #tpu.memory_space<vmem>>, vector<1x16xf32>,
      %get3A_301 = arith.index_cast %scan3A_212 : i32 to index
      %get3A_302 = arith.constant 80 : index
      %get3A_303 = tpu.vector_load %arg8[%get3A_301, %get3A_302] {strides = array<i32>} : memref<64x128xf32, #tpu.memory_space<vmem>>, vector<1x16xf32>,
      %get3A_304 = vector.shape_cast %get3A_303 : vector<1x16xf32> to vector<16xf32>
      %add3A_305 = arith.constant 0 : i32
      %add3A_306 = arith.addi %add3A_305, %scan3A_212 : i32
      %swap3A_307 = arith.index_cast %add3A_306 : i32 to index
      %swap3A_308 = arith.constant 80 : index
      %swap3A_309 = tpu.vector_load %arg7[%swap3A_307, %swap3A_308] {strides = array<i32>} : memref<256x128xf32, #tpu.memory_space<vmem>>, vector<1x16xf32>,
      %swap3A_310 = vector.shape_cast %swap3A_309 : vector<1x16xf32> to vector<16xf32>
      %swap3A_311 = vector.shape_cast %get3A_304 : vector<16xf32> to vector<1x16xf32>
      tpu.vector_store %arg7[%swap3A_307, %swap3A_308], %swap3A_311 {add = true, strides = array<i32>} : memref<256x128xf32, #tpu.memory_space<vmem>>, vector<1x16xf32>,
      %add3A_312 = arith.constant 64 : i32
      %add3A_313 = arith.addi %add3A_312, %scan3A_212 : i32
      %swap3A_314 = arith.index_cast %add3A_313 : i32 to index
      %swap3A_315 = arith.constant 80 : index
      %swap3A_316 = tpu.vector_load %arg7[%swap3A_314, %swap3A_315] {strides = array<i32>} : memref<256x128xf32, #tpu.memory_space<vmem>>, vector<1x16xf32>,
      %swap3A_317 = vector.shape_cast %swap3A_316 : vector<1x16xf32> to vector<16xf32>
      %swap3A_318 = vector.shape_cast %get3A_304 : vector<16xf32> to vector<1x16xf32>
      tpu.vector_store %arg7[%swap3A_314, %swap3A_315], %swap3A_318 {add = true, strides = array<i32>} : memref<256x128xf32, #tpu.memory_space<vmem>>, vector<1x16xf32>,
      %get3A_319 = arith.index_cast %scan3A_212 : i32 to index
      %get3A_320 = arith.constant 96 : index
      %get3A_321 = tpu.vector_load %arg8[%get3A_319, %get3A_320] {strides = array<i32>} : memref<64x128xf32, #tpu.memory_space<vmem>>, vector<1x16xf32>,
      %get3A_322 = vector.shape_cast %get3A_321 : vector<1x16xf32> to vector<16xf32>
      %add3A_323 = arith.constant 0 : i32
      %add3A_324 = arith.addi %add3A_323, %scan3A_212 : i32
      %swap3A_325 = arith.index_cast %add3A_324 : i32 to index
      %swap3A_326 = arith.constant 96 : index
      %swap3A_327 = tpu.vector_load %arg7[%swap3A_325, %swap3A_326] {strides = array<i32>} : memref<256x128xf32, #tpu.memory_space<vmem>>, vector<1x16xf32>,
      %swap3A_328 = vector.shape_cast %swap3A_327 : vector<1x16xf32> to vector<16xf32>
      %swap3A_329 = vector.shape_cast %get3A_322 : vector<16xf32> to vector<1x16xf32>
      tpu.vector_store %arg7[%swap3A_325, %swap3A_326], %swap3A_329 {add = true, strides = array<i32>} : memref<256x128xf32, #tpu.memory_space<vmem>>, vector<1x16xf32>,
      %add3A_330 = arith.constant 64 : i32
      %add3A_331 = arith.addi %add3A_330, %scan3A_212 : i32
      %swap3A_332 = arith.index_cast %add3A_331 : i32 to index
      %swap3A_333 = arith.constant 96 : index
      %swap3A_334 = tpu.vector_load %arg7[%swap3A_332, %swap3A_333] {strides = array<i32>} : memref<256x128xf32, #tpu.memory_space<vmem>>, vector<1x16xf32>,
      %swap3A_335 = vector.shape_cast %swap3A_334 : vector<1x16xf32> to vector<16xf32>
      %swap3A_336 = vector.shape_cast %get3A_322 : vector<16xf32> to vector<1x16xf32>
      tpu.vector_store %arg7[%swap3A_332, %swap3A_333], %swap3A_336 {add = true, strides = array<i32>} : memref<256x128xf32, #tpu.memory_space<vmem>>, vector<1x16xf32>,
      %get3A_337 = arith.index_cast %scan3A_212 : i32 to index
      %get3A_338 = arith.constant 112 : index
      %get3A_339 = tpu.vector_load %arg8[%get3A_337, %get3A_338] {strides = array<i32>} : memref<64x128xf32, #tpu.memory_space<vmem>>, vector<1x16xf32>,
      %get3A_340 = vector.shape_cast %get3A_339 : vector<1x16xf32> to vector<16xf32>
      %add3A_341 = arith.constant 0 : i32
      %add3A_342 = arith.addi %add3A_341, %scan3A_212 : i32
      %swap3A_343 = arith.index_cast %add3A_342 : i32 to index
      %swap3A_344 = arith.constant 112 : index
      %swap3A_345 = tpu.vector_load %arg7[%swap3A_343, %swap3A_344] {strides = array<i32>} : memref<256x128xf32, #tpu.memory_space<vmem>>, vector<1x16xf32>,
      %swap3A_346 = vector.shape_cast %swap3A_345 : vector<1x16xf32> to vector<16xf32>
      %swap3A_347 = vector.shape_cast %get3A_340 : vector<16xf32> to vector<1x16xf32>
      tpu.vector_store %arg7[%swap3A_343, %swap3A_344], %swap3A_347 {add = true, strides = array<i32>} : memref<256x128xf32, #tpu.memory_space<vmem>>, vector<1x16xf32>,
      %add3A_348 = arith.constant 64 : i32
      %add3A_349 = arith.addi %add3A_348, %scan3A_212 : i32
      %swap3A_350 = arith.index_cast %add3A_349 : i32 to index
      %swap3A_351 = arith.constant 112 : index
      %swap3A_352 = tpu.vector_load %arg7[%swap3A_350, %swap3A_351] {strides = array<i32>} : memref<256x128xf32, #tpu.memory_space<vmem>>, vector<1x16xf32>,
      %swap3A_353 = vector.shape_cast %swap3A_352 : vector<1x16xf32> to vector<16xf32>
      %swap3A_354 = vector.shape_cast %get3A_340 : vector<16xf32> to vector<1x16xf32>
      tpu.vector_store %arg7[%swap3A_350, %swap3A_351], %swap3A_354 {add = true, strides = array<i32>} : memref<256x128xf32, #tpu.memory_space<vmem>>, vector<1x16xf32>,
    }
    %scan3A_109 = arith.constant 64 : i32
    %add3A_110 = arith.constant 0 : i32
    %add3A_111 = arith.addi %add3A_110, %mul3A_2 : i32
    %dma_start3A_112 = arith.constant 0 : i32
    %dma_start3A_113 = arith.constant 0 : i32
    %dma_start3A_114 = tpu.memref_slice %arg7[%dma_start3A_112, %dma_start3A_113] : memref<256x128xf32, #tpu.memory_space<vmem>> -> memref<64x128xf32, #tpu.memory_space<vmem>>
    %dma_start3A_115 = arith.constant 0 : i32
    %dma_start3A_116 = tpu.memref_slice %arg5[%add3A_111, %dma_start3A_115] : memref<8192x128xf32, #tpu.memory_space<hbm>> -> memref<64x128xf32, #tpu.memory_space<hbm>>
    %dma_start3A_117 = arith.constant 0 : i32
    %dma_start3A_118 = tpu.memref_slice %arg5[%add3A_111, %dma_start3A_117] : memref<8192x128xf32, #tpu.memory_space<hbm>> -> memref<64x128xf32, #tpu.memory_space<hbm>>
    %dma_start3A_119 = arith.constant 0 : i32
    %dma_start3A_120 = arith.constant 0 : i32
    %dma_start3A_121 = tpu.memref_slice %arg7[%dma_start3A_119, %dma_start3A_120] : memref<256x128xf32, #tpu.memory_space<vmem>> -> memref<64x128xf32, #tpu.memory_space<vmem>>
    tpu.enqueue_dma source(%dma_start3A_121 : memref<64x128xf32, #tpu.memory_space<vmem>>) target(%dma_start3A_118 : memref<64x128xf32, #tpu.memory_space<hbm>>) target_semaphore(%arg10 : memref<!tpu.dma_semaphore, #tpu.memory_space<semaphore_mem>>)
    %add3A_122 = arith.constant 2048 : i32
    %add3A_123 = arith.addi %add3A_122, %mul3A_2 : i32
    %dma_start3A_124 = arith.constant 64 : i32
    %dma_start3A_125 = arith.constant 0 : i32
    %dma_start3A_126 = tpu.memref_slice %arg7[%dma_start3A_124, %dma_start3A_125] : memref<256x128xf32, #tpu.memory_space<vmem>> -> memref<64x128xf32, #tpu.memory_space<vmem>>
    %dma_start3A_127 = arith.constant 0 : i32
    %dma_start3A_128 = tpu.memref_slice %arg5[%add3A_123, %dma_start3A_127] : memref<8192x128xf32, #tpu.memory_space<hbm>> -> memref<64x128xf32, #tpu.memory_space<hbm>>
    %dma_start3A_129 = arith.constant 0 : i32
    %dma_start3A_130 = tpu.memref_slice %arg5[%add3A_123, %dma_start3A_129] : memref<8192x128xf32, #tpu.memory_space<hbm>> -> memref<64x128xf32, #tpu.memory_space<hbm>>
    %dma_start3A_131 = arith.constant 64 : i32
    %dma_start3A_132 = arith.constant 0 : i32
    %dma_start3A_133 = tpu.memref_slice %arg7[%dma_start3A_131, %dma_start3A_132] : memref<256x128xf32, #tpu.memory_space<vmem>> -> memref<64x128xf32, #tpu.memory_space<vmem>>
    tpu.enqueue_dma source(%dma_start3A_133 : memref<64x128xf32, #tpu.memory_space<vmem>>) target(%dma_start3A_130 : memref<64x128xf32, #tpu.memory_space<hbm>>) target_semaphore(%arg10 : memref<!tpu.dma_semaphore, #tpu.memory_space<semaphore_mem>>)
    %dma_wait3A_134 = arith.constant 128 : i32
    %dma_wait3A_135 = arith.constant 0 : i32
    %dma_wait3A_136 = tpu.memref_slice %arg7[%dma_wait3A_134, %dma_wait3A_135] : memref<256x128xf32, #tpu.memory_space<vmem>> -> memref<128x128xf32, #tpu.memory_space<vmem>>
    %dma_wait3A_137 = arith.constant 128 : i32
    %dma_wait3A_138 = tpu.memref_slice %arg6[%dma_wait3A_137] : memref<256xi32, #tpu.memory_space<vmem>> -> memref<128xi32, #tpu.memory_space<vmem>>
    %dma_wait3A_139 = arith.constant 0 : i32
    %dma_wait3A_140 = arith.constant 0 : i32
    %dma_wait3A_141 = tpu.memref_slice %arg3[%dma_wait3A_139, %dma_wait3A_140] : memref<100000x128xf32, #tpu.memory_space<hbm>> -> memref<100000x128xf32, #tpu.memory_space<hbm>>
    tpu.wait_indirect_dma semaphore(%arg12 : memref<!tpu.dma_semaphore, #tpu.memory_space<semaphore_mem>>) src(%dma_wait3A_141 : memref<100000x128xf32, #tpu.memory_space<hbm>>) dst(%dma_wait3A_136 : memref<128x128xf32, #tpu.memory_space<vmem>>)
    %scan3A_142 = arith.constant 0 : i32
    %scan3A_143 = arith.constant 0 : i32
    %scan3A_144 = arith.constant 64 : i32
    %scan3A_145 = arith.addi %scan3A_143, %scan3A_144 : i32
    %scan3A_146 = arith.constant 1 : i32
    scf.for %scan3A_212 = %scan3A_143 to %scan3A_145 step %scan3A_146  : i32 {
      %get3A = arith.index_cast %scan3A_212 : i32 to index
      %get3A_213 = arith.constant 0 : index
      %get3A_214 = tpu.vector_load %arg8[%get3A, %get3A_213] {strides = array<i32>} : memref<64x128xf32, #tpu.memory_space<vmem>>, vector<1x16xf32>,
      %get3A_215 = vector.shape_cast %get3A_214 : vector<1x16xf32> to vector<16xf32>
      %add3A_216 = arith.constant 128 : i32
      %add3A_217 = arith.addi %add3A_216, %scan3A_212 : i32
      %swap3A = arith.index_cast %add3A_217 : i32 to index
      %swap3A_218 = arith.constant 0 : index
      %swap3A_219 = tpu.vector_load %arg7[%swap3A, %swap3A_218] {strides = array<i32>} : memref<256x128xf32, #tpu.memory_space<vmem>>, vector<1x16xf32>,
      %swap3A_220 = vector.shape_cast %swap3A_219 : vector<1x16xf32> to vector<16xf32>
      %swap3A_221 = vector.shape_cast %get3A_215 : vector<16xf32> to vector<1x16xf32>
      tpu.vector_store %arg7[%swap3A, %swap3A_218], %swap3A_221 {add = true, strides = array<i32>} : memref<256x128xf32, #tpu.memory_space<vmem>>, vector<1x16xf32>,
      %add3A_222 = arith.constant 192 : i32
      %add3A_223 = arith.addi %add3A_222, %scan3A_212 : i32
      %swap3A_224 = arith.index_cast %add3A_223 : i32 to index
      %swap3A_225 = arith.constant 0 : index
      %swap3A_226 = tpu.vector_load %arg7[%swap3A_224, %swap3A_225] {strides = array<i32>} : memref<256x128xf32, #tpu.memory_space<vmem>>, vector<1x16xf32>,
      %swap3A_227 = vector.shape_cast %swap3A_226 : vector<1x16xf32> to vector<16xf32>
      %swap3A_228 = vector.shape_cast %get3A_215 : vector<16xf32> to vector<1x16xf32>
      tpu.vector_store %arg7[%swap3A_224, %swap3A_225], %swap3A_228 {add = true, strides = array<i32>} : memref<256x128xf32, #tpu.memory_space<vmem>>, vector<1x16xf32>,
      %get3A_229 = arith.index_cast %scan3A_212 : i32 to index
      %get3A_230 = arith.constant 16 : index
      %get3A_231 = tpu.vector_load %arg8[%get3A_229, %get3A_230] {strides = array<i32>} : memref<64x128xf32, #tpu.memory_space<vmem>>, vector<1x16xf32>,
      %get3A_232 = vector.shape_cast %get3A_231 : vector<1x16xf32> to vector<16xf32>
      %add3A_233 = arith.constant 128 : i32
      %add3A_234 = arith.addi %add3A_233, %scan3A_212 : i32
      %swap3A_235 = arith.index_cast %add3A_234 : i32 to index
      %swap3A_236 = arith.constant 16 : index
      %swap3A_237 = tpu.vector_load %arg7[%swap3A_235, %swap3A_236] {strides = array<i32>} : memref<256x128xf32, #tpu.memory_space<vmem>>, vector<1x16xf32>,
      %swap3A_238 = vector.shape_cast %swap3A_237 : vector<1x16xf32> to vector<16xf32>
      %swap3A_239 = vector.shape_cast %get3A_232 : vector<16xf32> to vector<1x16xf32>
      tpu.vector_store %arg7[%swap3A_235, %swap3A_236], %swap3A_239 {add = true, strides = array<i32>} : memref<256x128xf32, #tpu.memory_space<vmem>>, vector<1x16xf32>,
      %add3A_240 = arith.constant 192 : i32
      %add3A_241 = arith.addi %add3A_240, %scan3A_212 : i32
      %swap3A_242 = arith.index_cast %add3A_241 : i32 to index
      %swap3A_243 = arith.constant 16 : index
      %swap3A_244 = tpu.vector_load %arg7[%swap3A_242, %swap3A_243] {strides = array<i32>} : memref<256x128xf32, #tpu.memory_space<vmem>>, vector<1x16xf32>,
      %swap3A_245 = vector.shape_cast %swap3A_244 : vector<1x16xf32> to vector<16xf32>
      %swap3A_246 = vector.shape_cast %get3A_232 : vector<16xf32> to vector<1x16xf32>
      tpu.vector_store %arg7[%swap3A_242, %swap3A_243], %swap3A_246 {add = true, strides = array<i32>} : memref<256x128xf32, #tpu.memory_space<vmem>>, vector<1x16xf32>,
      %get3A_247 = arith.index_cast %scan3A_212 : i32 to index
      %get3A_248 = arith.constant 32 : index
      %get3A_249 = tpu.vector_load %arg8[%get3A_247, %get3A_248] {strides = array<i32>} : memref<64x128xf32, #tpu.memory_space<vmem>>, vector<1x16xf32>,
      %get3A_250 = vector.shape_cast %get3A_249 : vector<1x16xf32> to vector<16xf32>
      %add3A_251 = arith.constant 128 : i32
      %add3A_252 = arith.addi %add3A_251, %scan3A_212 : i32
      %swap3A_253 = arith.index_cast %add3A_252 : i32 to index
      %swap3A_254 = arith.constant 32 : index
      %swap3A_255 = tpu.vector_load %arg7[%swap3A_253, %swap3A_254] {strides = array<i32>} : memref<256x128xf32, #tpu.memory_space<vmem>>, vector<1x16xf32>,
      %swap3A_256 = vector.shape_cast %swap3A_255 : vector<1x16xf32> to vector<16xf32>
      %swap3A_257 = vector.shape_cast %get3A_250 : vector<16xf32> to vector<1x16xf32>
      tpu.vector_store %arg7[%swap3A_253, %swap3A_254], %swap3A_257 {add = true, strides = array<i32>} : memref<256x128xf32, #tpu.memory_space<vmem>>, vector<1x16xf32>,
      %add3A_258 = arith.constant 192 : i32
      %add3A_259 = arith.addi %add3A_258, %scan3A_212 : i32
      %swap3A_260 = arith.index_cast %add3A_259 : i32 to index
      %swap3A_261 = arith.constant 32 : index
      %swap3A_262 = tpu.vector_load %arg7[%swap3A_260, %swap3A_261] {strides = array<i32>} : memref<256x128xf32, #tpu.memory_space<vmem>>, vector<1x16xf32>,
      %swap3A_263 = vector.shape_cast %swap3A_262 : vector<1x16xf32> to vector<16xf32>
      %swap3A_264 = vector.shape_cast %get3A_250 : vector<16xf32> to vector<1x16xf32>
      tpu.vector_store %arg7[%swap3A_260, %swap3A_261], %swap3A_264 {add = true, strides = array<i32>} : memref<256x128xf32, #tpu.memory_space<vmem>>, vector<1x16xf32>,
      %get3A_265 = arith.index_cast %scan3A_212 : i32 to index
      %get3A_266 = arith.constant 48 : index
      %get3A_267 = tpu.vector_load %arg8[%get3A_265, %get3A_266] {strides = array<i32>} : memref<64x128xf32, #tpu.memory_space<vmem>>, vector<1x16xf32>,
      %get3A_268 = vector.shape_cast %get3A_267 : vector<1x16xf32> to vector<16xf32>
      %add3A_269 = arith.constant 128 : i32
      %add3A_270 = arith.addi %add3A_269, %scan3A_212 : i32
      %swap3A_271 = arith.index_cast %add3A_270 : i32 to index
      %swap3A_272 = arith.constant 48 : index
      %swap3A_273 = tpu.vector_load %arg7[%swap3A_271, %swap3A_272] {strides = array<i32>} : memref<256x128xf32, #tpu.memory_space<vmem>>, vector<1x16xf32>,
      %swap3A_274 = vector.shape_cast %swap3A_273 : vector<1x16xf32> to vector<16xf32>
      %swap3A_275 = vector.shape_cast %get3A_268 : vector<16xf32> to vector<1x16xf32>
      tpu.vector_store %arg7[%swap3A_271, %swap3A_272], %swap3A_275 {add = true, strides = array<i32>} : memref<256x128xf32, #tpu.memory_space<vmem>>, vector<1x16xf32>,
      %add3A_276 = arith.constant 192 : i32
      %add3A_277 = arith.addi %add3A_276, %scan3A_212 : i32
      %swap3A_278 = arith.index_cast %add3A_277 : i32 to index
      %swap3A_279 = arith.constant 48 : index
      %swap3A_280 = tpu.vector_load %arg7[%swap3A_278, %swap3A_279] {strides = array<i32>} : memref<256x128xf32, #tpu.memory_space<vmem>>, vector<1x16xf32>,
      %swap3A_281 = vector.shape_cast %swap3A_280 : vector<1x16xf32> to vector<16xf32>
      %swap3A_282 = vector.shape_cast %get3A_268 : vector<16xf32> to vector<1x16xf32>
      tpu.vector_store %arg7[%swap3A_278, %swap3A_279], %swap3A_282 {add = true, strides = array<i32>} : memref<256x128xf32, #tpu.memory_space<vmem>>, vector<1x16xf32>,
      %get3A_283 = arith.index_cast %scan3A_212 : i32 to index
      %get3A_284 = arith.constant 64 : index
      %get3A_285 = tpu.vector_load %arg8[%get3A_283, %get3A_284] {strides = array<i32>} : memref<64x128xf32, #tpu.memory_space<vmem>>, vector<1x16xf32>,
      %get3A_286 = vector.shape_cast %get3A_285 : vector<1x16xf32> to vector<16xf32>
      %add3A_287 = arith.constant 128 : i32
      %add3A_288 = arith.addi %add3A_287, %scan3A_212 : i32
      %swap3A_289 = arith.index_cast %add3A_288 : i32 to index
      %swap3A_290 = arith.constant 64 : index
      %swap3A_291 = tpu.vector_load %arg7[%swap3A_289, %swap3A_290] {strides = array<i32>} : memref<256x128xf32, #tpu.memory_space<vmem>>, vector<1x16xf32>,
      %swap3A_292 = vector.shape_cast %swap3A_291 : vector<1x16xf32> to vector<16xf32>
      %swap3A_293 = vector.shape_cast %get3A_286 : vector<16xf32> to vector<1x16xf32>
      tpu.vector_store %arg7[%swap3A_289, %swap3A_290], %swap3A_293 {add = true, strides = array<i32>} : memref<256x128xf32, #tpu.memory_space<vmem>>, vector<1x16xf32>,
      %add3A_294 = arith.constant 192 : i32
      %add3A_295 = arith.addi %add3A_294, %scan3A_212 : i32
      %swap3A_296 = arith.index_cast %add3A_295 : i32 to index
      %swap3A_297 = arith.constant 64 : index
      %swap3A_298 = tpu.vector_load %arg7[%swap3A_296, %swap3A_297] {strides = array<i32>} : memref<256x128xf32, #tpu.memory_space<vmem>>, vector<1x16xf32>,
      %swap3A_299 = vector.shape_cast %swap3A_298 : vector<1x16xf32> to vector<16xf32>
      %swap3A_300 = vector.shape_cast %get3A_286 : vector<16xf32> to vector<1x16xf32>
      tpu.vector_store %arg7[%swap3A_296, %swap3A_297], %swap3A_300 {add = true, strides = array<i32>} : memref<256x128xf32, #tpu.memory_space<vmem>>, vector<1x16xf32>,
      %get3A_301 = arith.index_cast %scan3A_212 : i32 to index
      %get3A_302 = arith.constant 80 : index
      %get3A_303 = tpu.vector_load %arg8[%get3A_301, %get3A_302] {strides = array<i32>} : memref<64x128xf32, #tpu.memory_space<vmem>>, vector<1x16xf32>,
      %get3A_304 = vector.shape_cast %get3A_303 : vector<1x16xf32> to vector<16xf32>
      %add3A_305 = arith.constant 128 : i32
      %add3A_306 = arith.addi %add3A_305, %scan3A_212 : i32
      %swap3A_307 = arith.index_cast %add3A_306 : i32 to index
      %swap3A_308 = arith.constant 80 : index
      %swap3A_309 = tpu.vector_load %arg7[%swap3A_307, %swap3A_308] {strides = array<i32>} : memref<256x128xf32, #tpu.memory_space<vmem>>, vector<1x16xf32>,
      %swap3A_310 = vector.shape_cast %swap3A_309 : vector<1x16xf32> to vector<16xf32>
      %swap3A_311 = vector.shape_cast %get3A_304 : vector<16xf32> to vector<1x16xf32>
      tpu.vector_store %arg7[%swap3A_307, %swap3A_308], %swap3A_311 {add = true, strides = array<i32>} : memref<256x128xf32, #tpu.memory_space<vmem>>, vector<1x16xf32>,
      %add3A_312 = arith.constant 192 : i32
      %add3A_313 = arith.addi %add3A_312, %scan3A_212 : i32
      %swap3A_314 = arith.index_cast %add3A_313 : i32 to index
      %swap3A_315 = arith.constant 80 : index
      %swap3A_316 = tpu.vector_load %arg7[%swap3A_314, %swap3A_315] {strides = array<i32>} : memref<256x128xf32, #tpu.memory_space<vmem>>, vector<1x16xf32>,
      %swap3A_317 = vector.shape_cast %swap3A_316 : vector<1x16xf32> to vector<16xf32>
      %swap3A_318 = vector.shape_cast %get3A_304 : vector<16xf32> to vector<1x16xf32>
      tpu.vector_store %arg7[%swap3A_314, %swap3A_315], %swap3A_318 {add = true, strides = array<i32>} : memref<256x128xf32, #tpu.memory_space<vmem>>, vector<1x16xf32>,
      %get3A_319 = arith.index_cast %scan3A_212 : i32 to index
      %get3A_320 = arith.constant 96 : index
      %get3A_321 = tpu.vector_load %arg8[%get3A_319, %get3A_320] {strides = array<i32>} : memref<64x128xf32, #tpu.memory_space<vmem>>, vector<1x16xf32>,
      %get3A_322 = vector.shape_cast %get3A_321 : vector<1x16xf32> to vector<16xf32>
      %add3A_323 = arith.constant 128 : i32
      %add3A_324 = arith.addi %add3A_323, %scan3A_212 : i32
      %swap3A_325 = arith.index_cast %add3A_324 : i32 to index
      %swap3A_326 = arith.constant 96 : index
      %swap3A_327 = tpu.vector_load %arg7[%swap3A_325, %swap3A_326] {strides = array<i32>} : memref<256x128xf32, #tpu.memory_space<vmem>>, vector<1x16xf32>,
      %swap3A_328 = vector.shape_cast %swap3A_327 : vector<1x16xf32> to vector<16xf32>
      %swap3A_329 = vector.shape_cast %get3A_322 : vector<16xf32> to vector<1x16xf32>
      tpu.vector_store %arg7[%swap3A_325, %swap3A_326], %swap3A_329 {add = true, strides = array<i32>} : memref<256x128xf32, #tpu.memory_space<vmem>>, vector<1x16xf32>,
      %add3A_330 = arith.constant 192 : i32
      %add3A_331 = arith.addi %add3A_330, %scan3A_212 : i32
      %swap3A_332 = arith.index_cast %add3A_331 : i32 to index
      %swap3A_333 = arith.constant 96 : index
      %swap3A_334 = tpu.vector_load %arg7[%swap3A_332, %swap3A_333] {strides = array<i32>} : memref<256x128xf32, #tpu.memory_space<vmem>>, vector<1x16xf32>,
      %swap3A_335 = vector.shape_cast %swap3A_334 : vector<1x16xf32> to vector<16xf32>
      %swap3A_336 = vector.shape_cast %get3A_322 : vector<16xf32> to vector<1x16xf32>
      tpu.vector_store %arg7[%swap3A_332, %swap3A_333], %swap3A_336 {add = true, strides = array<i32>} : memref<256x128xf32, #tpu.memory_space<vmem>>, vector<1x16xf32>,
      %get3A_337 = arith.index_cast %scan3A_212 : i32 to index
      %get3A_338 = arith.constant 112 : index
      %get3A_339 = tpu.vector_load %arg8[%get3A_337, %get3A_338] {strides = array<i32>} : memref<64x128xf32, #tpu.memory_space<vmem>>, vector<1x16xf32>,
      %get3A_340 = vector.shape_cast %get3A_339 : vector<1x16xf32> to vector<16xf32>
      %add3A_341 = arith.constant 128 : i32
      %add3A_342 = arith.addi %add3A_341, %scan3A_212 : i32
      %swap3A_343 = arith.index_cast %add3A_342 : i32 to index
      %swap3A_344 = arith.constant 112 : index
      %swap3A_345 = tpu.vector_load %arg7[%swap3A_343, %swap3A_344] {strides = array<i32>} : memref<256x128xf32, #tpu.memory_space<vmem>>, vector<1x16xf32>,
      %swap3A_346 = vector.shape_cast %swap3A_345 : vector<1x16xf32> to vector<16xf32>
      %swap3A_347 = vector.shape_cast %get3A_340 : vector<16xf32> to vector<1x16xf32>
      tpu.vector_store %arg7[%swap3A_343, %swap3A_344], %swap3A_347 {add = true, strides = array<i32>} : memref<256x128xf32, #tpu.memory_space<vmem>>, vector<1x16xf32>,
      %add3A_348 = arith.constant 192 : i32
      %add3A_349 = arith.addi %add3A_348, %scan3A_212 : i32
      %swap3A_350 = arith.index_cast %add3A_349 : i32 to index
      %swap3A_351 = arith.constant 112 : index
      %swap3A_352 = tpu.vector_load %arg7[%swap3A_350, %swap3A_351] {strides = array<i32>} : memref<256x128xf32, #tpu.memory_space<vmem>>, vector<1x16xf32>,
      %swap3A_353 = vector.shape_cast %swap3A_352 : vector<1x16xf32> to vector<16xf32>
      %swap3A_354 = vector.shape_cast %get3A_340 : vector<16xf32> to vector<1x16xf32>
      tpu.vector_store %arg7[%swap3A_350, %swap3A_351], %swap3A_354 {add = true, strides = array<i32>} : memref<256x128xf32, #tpu.memory_space<vmem>>, vector<1x16xf32>,
    }
    %scan3A_147 = arith.constant 64 : i32
    %add3A_148 = arith.constant 4096 : i32
    %add3A_149 = arith.addi %add3A_148, %mul3A_2 : i32
    %dma_start3A_150 = arith.constant 128 : i32
    %dma_start3A_151 = arith.constant 0 : i32
    %dma_start3A_152 = tpu.memref_slice %arg7[%dma_start3A_150, %dma_start3A_151] : memref<256x128xf32, #tpu.memory_space<vmem>> -> memref<64x128xf32, #tpu.memory_space<vmem>>
    %dma_start3A_153 = arith.constant 0 : i32
    %dma_start3A_154 = tpu.memref_slice %arg5[%add3A_149, %dma_start3A_153] : memref<8192x128xf32, #tpu.memory_space<hbm>> -> memref<64x128xf32, #tpu.memory_space<hbm>>
    %dma_start3A_155 = arith.constant 0 : i32
    %dma_start3A_156 = tpu.memref_slice %arg5[%add3A_149, %dma_start3A_155] : memref<8192x128xf32, #tpu.memory_space<hbm>> -> memref<64x128xf32, #tpu.memory_space<hbm>>
    %dma_start3A_157 = arith.constant 128 : i32
    %dma_start3A_158 = arith.constant 0 : i32
    %dma_start3A_159 = tpu.memref_slice %arg7[%dma_start3A_157, %dma_start3A_158] : memref<256x128xf32, #tpu.memory_space<vmem>> -> memref<64x128xf32, #tpu.memory_space<vmem>>
    tpu.enqueue_dma source(%dma_start3A_159 : memref<64x128xf32, #tpu.memory_space<vmem>>) target(%dma_start3A_156 : memref<64x128xf32, #tpu.memory_space<hbm>>) target_semaphore(%arg10 : memref<!tpu.dma_semaphore, #tpu.memory_space<semaphore_mem>>)
    %add3A_160 = arith.constant 6144 : i32
    %add3A_161 = arith.addi %add3A_160, %mul3A_2 : i32
    %dma_start3A_162 = arith.constant 192 : i32
    %dma_start3A_163 = arith.constant 0 : i32
    %dma_start3A_164 = tpu.memref_slice %arg7[%dma_start3A_162, %dma_start3A_163] : memref<256x128xf32, #tpu.memory_space<vmem>> -> memref<64x128xf32, #tpu.memory_space<vmem>>
    %dma_start3A_165 = arith.constant 0 : i32
    %dma_start3A_166 = tpu.memref_slice %arg5[%add3A_161, %dma_start3A_165] : memref<8192x128xf32, #tpu.memory_space<hbm>> -> memref<64x128xf32, #tpu.memory_space<hbm>>
    %dma_start3A_167 = arith.constant 0 : i32
    %dma_start3A_168 = tpu.memref_slice %arg5[%add3A_161, %dma_start3A_167] : memref<8192x128xf32, #tpu.memory_space<hbm>> -> memref<64x128xf32, #tpu.memory_space<hbm>>
    %dma_start3A_169 = arith.constant 192 : i32
    %dma_start3A_170 = arith.constant 0 : i32
    %dma_start3A_171 = tpu.memref_slice %arg7[%dma_start3A_169, %dma_start3A_170] : memref<256x128xf32, #tpu.memory_space<vmem>> -> memref<64x128xf32, #tpu.memory_space<vmem>>
    tpu.enqueue_dma source(%dma_start3A_171 : memref<64x128xf32, #tpu.memory_space<vmem>>) target(%dma_start3A_168 : memref<64x128xf32, #tpu.memory_space<hbm>>) target_semaphore(%arg10 : memref<!tpu.dma_semaphore, #tpu.memory_space<semaphore_mem>>)
    %dma_wait3A_172 = arith.constant 0 : i32
    %dma_wait3A_173 = arith.constant 0 : i32
    %dma_wait3A_174 = tpu.memref_slice %arg7[%dma_wait3A_172, %dma_wait3A_173] : memref<256x128xf32, #tpu.memory_space<vmem>> -> memref<64x128xf32, #tpu.memory_space<vmem>>
    %dma_wait3A_175 = arith.constant 0 : i32
    %dma_wait3A_176 = tpu.memref_slice %arg5[%add3A_111, %dma_wait3A_175] : memref<8192x128xf32, #tpu.memory_space<hbm>> -> memref<64x128xf32, #tpu.memory_space<hbm>>
    %dma_wait3A_177 = arith.constant 0 : i32
    %dma_wait3A_178 = tpu.memref_slice %arg5[%add3A_111, %dma_wait3A_177] : memref<8192x128xf32, #tpu.memory_space<hbm>> -> memref<64x128xf32, #tpu.memory_space<hbm>>
    %dma_wait3A_179 = arith.constant 0 : i32
    %dma_wait3A_180 = arith.constant 0 : i32
    %dma_wait3A_181 = tpu.memref_slice %arg7[%dma_wait3A_179, %dma_wait3A_180] : memref<256x128xf32, #tpu.memory_space<vmem>> -> memref<64x128xf32, #tpu.memory_space<vmem>>
    tpu.wait_dma2 semaphore(%arg10 : memref<!tpu.dma_semaphore, #tpu.memory_space<semaphore_mem>>) src(%dma_wait3A_181 : memref<64x128xf32, #tpu.memory_space<vmem>>) dst(%dma_wait3A_178 : memref<64x128xf32, #tpu.memory_space<hbm>>)
    %dma_wait3A_182 = arith.constant 64 : i32
    %dma_wait3A_183 = arith.constant 0 : i32
    %dma_wait3A_184 = tpu.memref_slice %arg7[%dma_wait3A_182, %dma_wait3A_183] : memref<256x128xf32, #tpu.memory_space<vmem>> -> memref<64x128xf32, #tpu.memory_space<vmem>>
    %dma_wait3A_185 = arith.constant 0 : i32
    %dma_wait3A_186 = tpu.memref_slice %arg5[%add3A_123, %dma_wait3A_185] : memref<8192x128xf32, #tpu.memory_space<hbm>> -> memref<64x128xf32, #tpu.memory_space<hbm>>
    %dma_wait3A_187 = arith.constant 0 : i32
    %dma_wait3A_188 = tpu.memref_slice %arg5[%add3A_123, %dma_wait3A_187] : memref<8192x128xf32, #tpu.memory_space<hbm>> -> memref<64x128xf32, #tpu.memory_space<hbm>>
    %dma_wait3A_189 = arith.constant 64 : i32
    %dma_wait3A_190 = arith.constant 0 : i32
    %dma_wait3A_191 = tpu.memref_slice %arg7[%dma_wait3A_189, %dma_wait3A_190] : memref<256x128xf32, #tpu.memory_space<vmem>> -> memref<64x128xf32, #tpu.memory_space<vmem>>
    tpu.wait_dma2 semaphore(%arg10 : memref<!tpu.dma_semaphore, #tpu.memory_space<semaphore_mem>>) src(%dma_wait3A_191 : memref<64x128xf32, #tpu.memory_space<vmem>>) dst(%dma_wait3A_188 : memref<64x128xf32, #tpu.memory_space<hbm>>)
    %dma_wait3A_192 = arith.constant 128 : i32
    %dma_wait3A_193 = arith.constant 0 : i32
    %dma_wait3A_194 = tpu.memref_slice %arg7[%dma_wait3A_192, %dma_wait3A_193] : memref<256x128xf32, #tpu.memory_space<vmem>> -> memref<64x128xf32, #tpu.memory_space<vmem>>
    %dma_wait3A_195 = arith.constant 0 : i32
    %dma_wait3A_196 = tpu.memref_slice %arg5[%add3A_149, %dma_wait3A_195] : memref<8192x128xf32, #tpu.memory_space<hbm>> -> memref<64x128xf32, #tpu.memory_space<hbm>>
    %dma_wait3A_197 = arith.constant 0 : i32
    %dma_wait3A_198 = tpu.memref_slice %arg5[%add3A_149, %dma_wait3A_197] : memref<8192x128xf32, #tpu.memory_space<hbm>> -> memref<64x128xf32, #tpu.memory_space<hbm>>
    %dma_wait3A_199 = arith.constant 128 : i32
    %dma_wait3A_200 = arith.constant 0 : i32
    %dma_wait3A_201 = tpu.memref_slice %arg7[%dma_wait3A_199, %dma_wait3A_200] : memref<256x128xf32, #tpu.memory_space<vmem>> -> memref<64x128xf32, #tpu.memory_space<vmem>>
    tpu.wait_dma2 semaphore(%arg10 : memref<!tpu.dma_semaphore, #tpu.memory_space<semaphore_mem>>) src(%dma_wait3A_201 : memref<64x128xf32, #tpu.memory_space<vmem>>) dst(%dma_wait3A_198 : memref<64x128xf32, #tpu.memory_space<hbm>>)
    %dma_wait3A_202 = arith.constant 192 : i32
    %dma_wait3A_203 = arith.constant 0 : i32
    %dma_wait3A_204 = tpu.memref_slice %arg7[%dma_wait3A_202, %dma_wait3A_203] : memref<256x128xf32, #tpu.memory_space<vmem>> -> memref<64x128xf32, #tpu.memory_space<vmem>>
    %dma_wait3A_205 = arith.constant 0 : i32
    %dma_wait3A_206 = tpu.memref_slice %arg5[%add3A_161, %dma_wait3A_205] : memref<8192x128xf32, #tpu.memory_space<hbm>> -> memref<64x128xf32, #tpu.memory_space<hbm>>
    %dma_wait3A_207 = arith.constant 0 : i32
    %dma_wait3A_208 = tpu.memref_slice %arg5[%add3A_161, %dma_wait3A_207] : memref<8192x128xf32, #tpu.memory_space<hbm>> -> memref<64x128xf32, #tpu.memory_space<hbm>>
    %dma_wait3A_209 = arith.constant 192 : i32
    %dma_wait3A_210 = arith.constant 0 : i32
    %dma_wait3A_211 = tpu.memref_slice %arg7[%dma_wait3A_209, %dma_wait3A_210] : memref<256x128xf32, #tpu.memory_space<vmem>> -> memref<64x128xf32, #tpu.memory_space<vmem>>
    tpu.wait_dma2 semaphore(%arg10 : memref<!tpu.dma_semaphore, #tpu.memory_space<semaphore_mem>>) src(%dma_wait3A_211 : memref<64x128xf32, #tpu.memory_space<vmem>>) dst(%dma_wait3A_208 : memref<64x128xf32, #tpu.memory_space<hbm>>)
    return
  }
}

</mosaic_0001>

<sc_bundles>
// kernel: kernel.3.cloned.1.call-start
scs
__scs_entry_jumppad:
0x0: {  	(pc) =	sbr.rel $0x88, $3  }
0x1: {  	(tag) =	ssettag $0x0;
	lr =	simm.s32 $0x1  }
0x2: {  	[smem:$0x3F9E] =	sst lr;
	_ =	strace $0xD0000000  }
0x3: {  	_ = 	snop  }
0x4: {  	_ = 	snop  }
0x5: {  	_ = 	snop  }
0x6: {  	_ = 	snop  }
0x7: {  	_ = 	snop  }
__scs_overlays_trampoline_lowered:
0x8: {  	[smem:$0x3FAD] =	sst s0  }
0x9: {  	[smem:$0x3FAE] =	sst s1  }
0xa: {  	[smem:$0x3FAF] =	sst s2  }
0xb: {  	[smem:$0x3FB0] =	sst s3  }
0xc: {  	[smem:$0x3FB1] =	sst s4  }
0xd: {  	[smem:$0x3FB2] =	sst s5  }
0xe: {  	[smem:$0x3FB3] =	sst s6  }
0xf: {  	[smem:$0x3FB4] =	sst s7  }
0x10: {  	[smem:$0x3FB5] =	sst s8  }
0x11: {  	[smem:$0x3FB6] =	sst s9;
	s0 =	simm.s32 @!p0 $0x0  }
0x12: {  	s1 =	sld [smem:$0x3F9C];
	s0 =	simm.s32 @p0 $0x1  }
0x13: {  	[smem:$0x3FB7] =	sst s0;
	s0 =	simm.s32 @!p1 $0x0  }
0x14: {  	s2 =	sld [smem:$0x3F9B];
	s0 =	simm.s32 @p1 $0x1  }
0x15: {  	[smem:$0x3FB8] =	sst s0;
	s0 =	simm.s32 @!p2 $0x0  }
0x16: {  	s3 =	sld [smem:$0x3FDB];
	s0 =	simm.s32 @p2 $0x1  }
0x17: {  	s4 =	simm.s32 $0x1BF5;
	[smem:$0x3FBA] =	sst s0  }
0x18: {  	s0 =	sld [smem:$0x3F9D];
	_ =	swait.ge [sflag:s4], $0x0  }
0x19: {  	s7 =	sld [smem:$0x3F9E]  }
0x1a: {  	s8 =	sadd.s32 $0xFFFFE003, lr  }
0x1b: {  	s9 =	sadd.s32 $0xFFFFFEF7, lr;
	s5 =	simm.s32 $0xFFFFFFFF;
	p2 =	slt.u32 s8, $0xFFFFF086  }
0x1c: {  	p1 =	slt.u32 s9, $0xF7A;
	s5 =	simm.s32 @!p2 $0x0  }
0x1d: {  	s5 =	simm.s32 @p1 $0x1;
	p0 =	seq.s32 s7, s2  }
0x1e: {  	s7 =	smul.u32 @!p0 $0xF7A, s2;
	p2 =	seq.s32 @!p0 s5, $0x0  }
0x1f: {  	s9 =	smul.u32 $0xF7A, s1;
	s8 =	simm.s32 @!p0 $0x1BF5;
	p2 =	por !p2, p0  }
0x20: {  	[sflag:s8] =	ssyncset.s32 @!p0 $0xFFFFF086;
	s6 =	sadd.s32 @!p0 s3, s7;
	s7 =	simm.s32 @!p0 $0x108  }
0x21: {  	s3 =	sadd.s32 s3, s9;
	s6 =	sadd.s32 @!p0 $0x88, s6;
	s7 =	simm.s32 @p2 $0x1082  }
0x22: {  	[simem:s7], [sflag:s8] =	dma.local @!p0 [hbm:s6], $0xF7A  }
0x23: {  	s9 =	sor.u32 $0xD0000000, s2;
	s6 =	simm.s32 $0x108;
	_ =	swait.ge @!p0 [sflag:s8], $0x0  }
0x24: {  	s3 =	sadd.s32 $0x88, s3;
	s6 =	simm.s32 @!p1 $0x1082;
	[sflag:s4] =	ssyncset.s32 $0xFFFFF086  }
0x25: {  	[simem:s6], [sflag:s4] =	dma.local [hbm:s3], $0xF7A  }
0x26: {  	[smem:$0x3F9E] =	sst s1;
	(tag) =	ssettag s2;
	_ =	strace s9  }
0x27: {  	s1 =	sld [smem:$0x3FAE]  }
0x28: {  	s2 =	sld [smem:$0x3FAF]  }
0x29: {  	s4 =	sld [smem:$0x3FB1]  }
0x2a: {  	p0 =	seq.s32 s5, $0x0;
	s5 =	sld [smem:$0x3FB2]  }
0x2b: {  	s6 =	sld [smem:$0x3FB3]  }
0x2c: {  	s7 =	sld [smem:$0x3FB4]  }
0x2d: {  	s3 =	simm.s32 $0x108;
	s8 =	sld [smem:$0x3FB5]  }
0x2e: {  	s3 =	simm.s32 @!p0 $0x1082;
	s9 =	sld [smem:$0x3FB6]  }
0x2f: {  	lr =	sadd.s32 s0, s3;
	s0 =	sld [smem:$0x3FAD]  }
0x30: {  	s3 =	sld [smem:$0x3FB0]  }
0x31: {  	[smem:$0x3FB9] =	sst s10  }
0x32: {  	s10 =	sld [smem:$0x3FB7];
	_ =	sdelay $0x3  }
0x33: {  	p0 =	seq.s32 s10, $0x1;
	s10 =	sld [smem:$0x3FB9];
	_ =	sdelay $0x3  }
0x34: {  	[smem:$0x3FB9] =	sst s10  }
0x35: {  	s10 =	sld [smem:$0x3FB8];
	_ =	sdelay $0x3  }
0x36: {  	p1 =	seq.s32 s10, $0x1;
	s10 =	sld [smem:$0x3FB9];
	_ =	sdelay $0x3  }
0x37: {  	[smem:$0x3FB9] =	sst s10  }
0x38: {  	s10 =	sld [smem:$0x3FBA]  }
0x39: {  	_ = 	snop;
	(pc) =	sbr.ind lr, $3  }
0x3a: {  	_ = 	snop  }
0x3b: {  	_ = 	snop  }
0x3c: {  	p2 =	seq.s32 s10, $0x1;
	s10 =	sld [smem:$0x3FB9]  }
0x3d: {  	_ =	shalt  }
0x3e: {  	_ =	shalt  }
0x3f: {  	_ =	shalt  }
0x40: {  	_ =	shalt  }
0x41: {  	_ =	shalt  }
0x42: {  	_ =	shalt  }
0x43: {  	_ =	shalt  }
0x44: {  	_ =	shalt  }
0x45: {  	_ =	shalt  }
0x46: {  	_ =	shalt  }
0x47: {  	_ =	shalt  }
0x48: {  	_ =	shalt  }
0x49: {  	_ =	shalt  }
0x4a: {  	_ =	shalt  }
0x4b: {  	_ =	shalt  }
0x4c: {  	_ =	shalt  }
0x4d: {  	_ =	shalt  }
0x4e: {  	_ =	shalt  }
0x4f: {  	_ =	shalt  }
0x50: {  	_ =	shalt  }
0x51: {  	_ =	shalt  }
0x52: {  	_ =	shalt  }
0x53: {  	_ =	shalt  }
0x54: {  	_ =	shalt  }
0x55: {  	_ =	shalt  }
0x56: {  	_ =	shalt  }
0x57: {  	_ =	shalt  }
0x58: {  	_ =	shalt  }
0x59: {  	_ =	shalt  }
0x5a: {  	_ =	shalt  }
0x5b: {  	_ =	shalt  }
0x5c: {  	_ =	shalt  }
0x5d: {  	_ =	shalt  }
0x5e: {  	_ =	shalt  }
0x5f: {  	_ =	shalt  }
0x60: {  	_ =	shalt  }
0x61: {  	_ =	shalt  }
0x62: {  	_ =	shalt  }
0x63: {  	_ =	shalt  }
0x64: {  	_ =	shalt  }
0x65: {  	_ =	shalt  }
0x66: {  	_ =	shalt  }
0x67: {  	_ =	shalt  }
0x68: {  	_ =	shalt  }
0x69: {  	_ =	shalt  }
0x6a: {  	_ =	shalt  }
0x6b: {  	_ =	shalt  }
0x6c: {  	_ =	shalt  }
0x6d: {  	_ =	shalt  }
0x6e: {  	_ =	shalt  }
0x6f: {  	_ =	shalt  }
0x70: {  	_ =	shalt  }
0x71: {  	_ =	shalt  }
0x72: {  	_ =	shalt  }
0x73: {  	_ =	shalt  }
0x74: {  	_ =	shalt  }
0x75: {  	_ =	shalt  }
0x76: {  	_ =	shalt  }
0x77: {  	_ =	shalt  }
0x78: {  	_ =	shalt  }
0x79: {  	_ =	shalt  }
0x7a: {  	_ =	shalt  }
0x7b: {  	_ =	shalt  }
0x7c: {  	_ =	shalt  }
0x7d: {  	_ =	shalt  }
0x7e: {  	_ =	shalt  }
0x7f: {  	_ =	shalt  }
0x80: {  	_ =	shalt  }
0x81: {  	_ =	shalt  }
0x82: {  	_ =	shalt  }
0x83: {  	_ =	shalt  }
0x84: {  	_ =	shalt  }
0x85: {  	_ =	shalt  }
0x86: {  	_ =	shalt  }
0x87: {  	_ =	shalt  }
.Lfunc_end0:
.L_simem_size_0:
called_computation_lowered:
.L_overlay_start_0:
0x88: {  	s2 =	sld [smem:$0x3FD9]  }
0x89: {  	s3 =	sld [smem:$0x3FFE];
	_ =	sdelay $0x1  }
0x8a: {  	s1 =	srdreg.scid  }
0x8b: {  	s0 =	sand.u32 $0x1, s1  }
0x8c: {  	s18 =	sshll.u32 s0, $0xA;
	s2 =	sadd.s32 s3, s2  }
0x8d: {  	s2 =	sadd.s32 s2, s18  }
0x8e: {  	[smem:$0x3FC5] =	sst s2  }
0x8f: {  	_ = 	snop  }
0x90: {  	s2 =	sld [smem:$0x3FC9]  }
0x91: {  	s19 =	sld [smem:$0x3FC8]  }
0x92: {  	s4 =	sld [smem:$0x3FC7]  }
0x93: {  	s5 =	sld [smem:$0x3FD0];
	(tm) =	ssettm $0x1  }
0x94: {  	s6 =	sld [smem:$0x3FFB];
	_ =	sdelay $0x3  }
0x95: {  	_ =	strace s6  }
0x96: {  	s6 =	sld [smem:$0x3FFC];
	_ =	sdelay $0x3  }
0x97: {  	_ =	strace s6  }
0x98: {  	s6 =	sld [smem:$0x3FFD];
	_ =	sdelay $0x3  }
0x99: {  	_ =	strace s6  }
0x9a: {  	_ =	strace $0x8FFFFFFF  }
0x9b: {  	s20 =	sld [smem:$0x3FDB];
	_ =	sdelay $0x1  }
0x9c: {  	s7 =	simm.s32 $_scs_section_size  }
0x9d: {  	s8 =	simm.s32 $_size__tile_overlayer_lowered;
	s9 =	simm.s32 $_tile_overlayer_lowered  }
0x9e: {  	s23 =	simm.s32 $0x1BFF;
	s22 =	sshll.u32 s9, $0x1;
	s6 =	sadd.s32 s7, s20  }
0x9f: {  	s10 =	simm.s32 $0x0;
	s21 =	sshll.u32 s8, $0x1;
	s8 =	sadd.s32 s22, s6  }
0xa0: {  	[timem:s10], [sflag:s23] =	dma.local [hbm:s8], s21  }
0xa1: {  	_ =	swait.ge [sflag:s23], s21  }
0xa2: {  	s7 =	ssub.s32 $0x0, s21;
	[sflag:s23] =	ssyncset.done $0x0  }
0xa3: {  	[sflag:s23] =	ssyncadd.s32 s7;
	_ =	sdelay $0x1  }
0xa4: {  	s24 =	simm.s32 $0x1B8B  }
0xa5: {  	_ =	swait.ge [sflag:s24], $0x1  }
0xa6: {  	[sflag:s24] =	ssyncset.done $0x0  }
0xa7: {  	s25 =	simm.s32 $0x1B8E;
	[sflag:s24] =	ssyncadd.s32 $0xFFFFFFFF  }
0xa8: {  	s26 =	simm.s32 $execute0_lowered;
	[smem:$0x3FD2] =	sst s25  }
0xa9: {  	s7 =	sshll.u32 s26, $0x1;
	_ =	strace $0x80000046;
	[dreg:$0x1] =	wrdreg $0xFFFFFFFF  }
0xaa: {  	s28 =	simm.s32 $_size_execute0_lowered;
	s6 =	sadd.s32 s6, s7;
	[dreg:$0x0] =	wrdreg $0x0  }
0xab: {  	s7 =	sshll.u32 s28, $0x1;
	[dreg:$0x2] =	wrdreg s6  }
0xac: {  	[dreg:$0x3] =	wrdreg s7  }
0xad: {  	[dreg:$0x4] =	wrdreg $0xC0  }
0xae: {  	_ =	task [dreg:s10], $0x5FFFF  }
0xaf: {  	[dreg:$0x1] =	wrdreg $0xFFFFFFFF  }
0xb0: {  	[dreg:$0x0] =	wrdreg $0x60  }
0xb1: {  	[dreg:$0x2] =	wrdreg s2  }
0xb2: {  	[dreg:$0x3] =	wrdreg s19  }
0xb3: {  	[dreg:$0x4] =	wrdreg s4  }
0xb4: {  	[dreg:$0x5] =	wrdreg s5  }
0xb5: {  	[dreg:$0x6] =	wrdreg $0x9  }
0xb6: {  	_ =	task.clear_ibuf [dreg:s10], $0x7FFFF;
	_ =	strace $0x90000046  }
0xb7: {  	s29 =	simm.s32 $0x9;
	_ =	strace $0x80000048  }
0xb8: {  	_ =	swait.ge [sflag:s29], $0x1  }
0xb9: {  	[sflag:s29] =	ssyncadd.s32 $0xFFFFFFFF  }
0xba: {  	_ =	strace $0x90000048  }
0xbb: {  	_ =	sfence  }
0xbc: {  	s30 =	sld [smem:$0x0];
	_ =	sdelay $0x2  }
0xbd: {  	s31 =	sshll.u32 s1, $0xD;
	s1 =	sshrl.u32 s1, $0x2  }
0xbe: {  	s3 =	sand.u32 $0x4000, s31;
	s1 =	sadd.s32 s1, s30  }
0xbf: {  	s0 =	sor.u32 s3, s0;
	s1 =	sshll.u32 s1, $0x11  }
0xc0: {  	s0 =	sor.u32 s1, s0  }
0xc1: {  	s0 =	sadd.s32 $0x8F2B, s0  }
0xc2: {  	[sflag:s0] =	ssyncadd.remote.s32 $0x1  }
0xc3: {  	_ =	sfence.sel $0xFFFF  }
0xc4: {  	[dreg:$0x0] =	wrdreg $0xFFFFFFFF;
	(pc) =	sbr.abs _section_cstart, $3  }
0xc5: {  	[dreg:$0x1] =	wrdreg $0xFFFFFFFF  }
0xc6: {  	_ =	task.clear_ibuf [dreg:s10], $0x2FFFF;
	_ =	strace $0x9FFFFFFF  }
0xc7: {  	(tm) =	ssettm $0x7FFFFFFF  }
tec
execute0_lowered:
.L_overlay_start_1:
0x0: {  	(tag) =	ssettag $0x1  }
0x1: {  	s1 =	srdreg.scid;
	s7 =	rddreg [dreg:$0x0]  }
0x2: {  	s0 =	stileid.u32;
	s9 =	rddreg [dreg:$0x2]  }
0x3: {  	s8 =	rddreg [dreg:$0x3];
	s3 =	simm.s32 $0x0;
	s14 =	simm.s32 $0x40  }
0x4: {  	s15 =	simm.s32 $0x80;
	s16 =	simm.s32 $0xC0;
	s17 =	simm.s32 $0x1  }
0x5: {  	s18 =	simm.s32 $0x8100;
	s19 =	simm.s32 $0x100;
	s20 =	simm.s32 $0x4100  }
0x6: {  	s21 =	simm.s32 $0x3;
	s22 =	simm.s32 $0x2100;
	s23 =	simm.s32 $0x4  }
0x7: {  	s24 =	simm.s32 $0x6100;
	s25 =	simm.s32 $0x2;
	s26 =	simm.s32 $0x0  }
0x8: {  	s4 =	sand.u32 $0x1, s1;
	s1 =	rddreg [dreg:$0x1];
	s2 =	sshll.u32 s0, $0x7  }
0x9: {  	[smem:$0x7FF] =	sst s3;
	s5 =	sshll.u32 s4, $0x6;
	s12 =	ssub.s32 $0x2, s4  }
0xa: {  	s6 =	sor.u32 s5, s2;
	s2 =	rddreg [dreg:$0x4];
	s29 =	sshrl.u32 s12, $0x1  }
0xb: {  	_ =	strace $0x80000047;
	s10 =	sshll.u32 s6, $0x2;
	s13 =	ssub.s32 s12, s29  }
0xc: {  	s31 =	sshll.u32 s6, $0x4;
	s11 =	sand.u32 $0x1E00, s10;
	s10 =	sor.u32 s5, s10  }
0xd: {  	s8 =	sadd.s32 s8, s31;
	s9 =	sadd.s32 s9, s31;
	s13 =	smax.u32 s13, $0x1  }
0xe: {  	s11 =	sor.u32 s5, s11;
	s10 =	sshrl.u32 s10, $0x3;
	s12 =	sadd.s32 $0x18000, s8  }
0xf: {  	s28 =	sshrl.u32 s11, $0x3;
	s30 =	sor.u32 $0x20, s10;
	s10 =	sor.u32 $0x30, s10  }
0x10: {  	s11 =	sadd.s32 $0x10000, s8;
	s4 =	sadd.s32 s7, s28;
	s6 =	sadd.s32 s7, s30  }
0x11: {  	s7 =	sadd.s32 s7, s10;
	s10 =	sadd.s32 $0x8000, s8;
	s5 =	sadd.s32 $0x10, s4  }
.LBB2_1:
0x12: {  	[tilespmem:s3], [sflag:$0x1] =	stream.linear.gather [hbm4b:s4+s3], $0x40, $0x38;
	[tilespmem:$0xA100] =	vst v63  }
0x13: {  	_ = 	snop  }
0x14: {  	[tilespmem:s14], [sflag:$0x1] =	stream.linear.gather [hbm4b:s5+s3], $0x40, $0x38;
	[tilespmem:$0xA100] =	vst v63  }
0x15: {  	_ = 	snop  }
0x16: {  	[tilespmem:s15], [sflag:$0x1] =	stream.linear.gather [hbm4b:s6+s3], $0x40, $0x38;
	[tilespmem:$0xA100] =	vst v63  }
0x17: {  	_ = 	snop  }
0x18: {  	[tilespmem:s16], [sflag:$0x1] =	stream.linear.gather [hbm4b:s7+s3], $0x40, $0x38;
	[tilespmem:$0xA100] =	vst v63  }
0x19: {  	_ =	swait.ge [sflag:s17], $0x40  }
0x1a: {  	[sflag:s17] =	ssyncset.done $0x0  }
0x1b: {  	[sflag:s17] =	ssyncadd.s32 $0xFFFFFFC0  }
0x1c: {  	_ =	swait.ge [sflag:s17], $0x40  }
0x1d: {  	[sflag:s17] =	ssyncset.done $0x0  }
0x1e: {  	[sflag:s17] =	ssyncadd.s32 $0xFFFFFFC0  }
0x1f: {  	_ =	swait.ge [sflag:s17], $0x40  }
0x20: {  	[sflag:s17] =	ssyncset.done $0x0  }
0x21: {  	[sflag:s17] =	ssyncadd.s32 $0xFFFFFFC0  }
0x22: {  	_ =	swait.ge [sflag:s17], $0x40  }
0x23: {  	[sflag:s17] =	ssyncset.done $0x0  }
0x24: {  	[sflag:s17] =	ssyncadd.s32 $0xFFFFFFC0  }
0x25: {  	[tilespmem:s18], [sflag:$0x1] =	stream.linear.gather [hbm4b:s9+s3], $0x2000, $0x38;
	[tilespmem:$0xA100] =	vst v63  }
0x26: {  	_ = 	snop  }
0x27: {  	[tilespmem:s19], [sflag:$0x3] =	stream.indirect.gather [hbm4b:s1+s15], $0x80, s3, s15, $0xb8;
	[tilespmem:$0xA100] =	vst v63  }
0x28: {  	_ = 	snop  }
0x29: {  	[tilespmem:s20], [sflag:$0x4] =	stream.indirect.gather [hbm4b:s1+s15], $0x80, s15, s15, $0xb8;
	[tilespmem:$0xA100] =	vst v63  }
0x2a: {  	_ =	swait.ge [sflag:s17], $0x2000  }
0x2b: {  	[sflag:s17] =	ssyncset.done $0x0  }
0x2c: {  	[sflag:s17] =	ssyncadd.s32 $0xFFFFE000  }
0x2d: {  	_ =	swait.ge [sflag:s21], $0x4000  }
0x2e: {  	[sflag:s21] =	ssyncset.done $0x0  }
0x2f: {  	s28 =	simm.s32 $0x0;
	s29 =	simm.s32 $0x200;
	[sflag:s21] =	ssyncadd.s32 $0xFFFFC000  }
.LBB2_2:
0x30: {  	p0 =	sne.s32 s29, $0x7E00;
	v0 =	vld [tilespmem:s28+$0x8170]  }
0x31: {  	v1 =	vld [tilespmem:s28+$0x8100]  }
0x32: {  	v2 =	vld [tilespmem:s28+$0x8110]  }
0x33: {  	v3 =	vld [tilespmem:s28+$0x8120]  }
0x34: {  	v4 =	vld [tilespmem:s28+$0x8130]  }
0x35: {  	[tilespmem:s28+$0x2170] =	vst.add.f32.msk $0xffff, v0  }
0x36: {  	v5 =	vld [tilespmem:s28+$0x8140]  }
0x37: {  	v6 =	vld [tilespmem:s28+$0x8150]  }
0x38: {  	v7 =	vld [tilespmem:s28+$0x8160]  }
0x39: {  	[tilespmem:s28+$0x100] =	vst.add.f32.msk $0xffff, v1  }
0x3a: {  	[tilespmem:s28+$0x2100] =	vst.add.f32.msk $0xffff, v1  }
0x3b: {  	[tilespmem:s28+$0x110] =	vst.add.f32.msk $0xffff, v2  }
0x3c: {  	[tilespmem:s28+$0x2110] =	vst.add.f32.msk $0xffff, v2  }
0x3d: {  	[tilespmem:s28+$0x120] =	vst.add.f32.msk $0xffff, v3  }
0x3e: {  	[tilespmem:s28+$0x2120] =	vst.add.f32.msk $0xffff, v3  }
0x3f: {  	[tilespmem:s28+$0x130] =	vst.add.f32.msk $0xffff, v4  }
0x40: {  	[tilespmem:s28+$0x2130] =	vst.add.f32.msk $0xffff, v4  }
0x41: {  	[tilespmem:s28+$0x140] =	vst.add.f32.msk $0xffff, v5  }
0x42: {  	[tilespmem:s28+$0x2140] =	vst.add.f32.msk $0xffff, v5  }
.Ltmp0:
0x43: {  	[tilespmem:s28+$0x150] =	vst.add.f32.msk $0xffff, v6;
	(pc) =	sbr.rel @p0 .LBB2_2-.Ltmp0, $4  }
0x44: {  	[tilespmem:s28+$0x2150] =	vst.add.f32.msk $0xffff, v6  }
0x45: {  	[tilespmem:s28+$0x160] =	vst.add.f32.msk $0xffff, v7  }
0x46: {  	[tilespmem:s28+$0x2160] =	vst.add.f32.msk $0xffff, v7  }
0x47: {  	[tilespmem:s28+$0x170] =	vst.add.f32.msk $0xffff, v0;
	s28 =	sshra.s32 s29, $0x2;
	s29 =	sadd.s32 $0x200, s29  }
0x48: {  	v0 =	vld [tilespmem:s28+$0x8170]  }
0x49: {  	v1 =	vld [tilespmem:s28+$0x8100]  }
0x4a: {  	v2 =	vld [tilespmem:s28+$0x8110]  }
0x4b: {  	v3 =	vld [tilespmem:s28+$0x8120]  }
0x4c: {  	v4 =	vld [tilespmem:s28+$0x8130]  }
0x4d: {  	v5 =	vld [tilespmem:s28+$0x8140]  }
0x4e: {  	v6 =	vld [tilespmem:s28+$0x8150]  }
0x4f: {  	v7 =	vld [tilespmem:s28+$0x8160]  }
0x50: {  	[tilespmem:s28+$0x2170] =	vst.add.f32.msk $0xffff, v0  }
0x51: {  	[tilespmem:s28+$0x100] =	vst.add.f32.msk $0xffff, v1  }
0x52: {  	[tilespmem:s28+$0x2100] =	vst.add.f32.msk $0xffff, v1  }
0x53: {  	[tilespmem:s28+$0x110] =	vst.add.f32.msk $0xffff, v2  }
0x54: {  	[tilespmem:s28+$0x2110] =	vst.add.f32.msk $0xffff, v2  }
0x55: {  	[tilespmem:s28+$0x120] =	vst.add.f32.msk $0xffff, v3  }
0x56: {  	[tilespmem:s28+$0x2120] =	vst.add.f32.msk $0xffff, v3  }
0x57: {  	[tilespmem:s28+$0x130] =	vst.add.f32.msk $0xffff, v4  }
0x58: {  	[tilespmem:s28+$0x2130] =	vst.add.f32.msk $0xffff, v4  }
0x59: {  	[tilespmem:s28+$0x140] =	vst.add.f32.msk $0xffff, v5  }
0x5a: {  	[tilespmem:s28+$0x2140] =	vst.add.f32.msk $0xffff, v5  }
0x5b: {  	[tilespmem:s28+$0x150] =	vst.add.f32.msk $0xffff, v6  }
0x5c: {  	[tilespmem:s28+$0x2150] =	vst.add.f32.msk $0xffff, v6  }
0x5d: {  	[tilespmem:s28+$0x160] =	vst.add.f32.msk $0xffff, v7  }
0x5e: {  	[tilespmem:s28+$0x2160] =	vst.add.f32.msk $0xffff, v7  }
0x5f: {  	[tilespmem:s28+$0x170] =	vst.add.f32.msk $0xffff, v0;
	s28 =	simm.s32 $0x0  }
0x60: {  	[hbm4b:s8+s28] =	stream.linear.scatter [tilespmem:s19], [sflag:$0x2], $0x2000, $0x38;
	[tilespmem:$0xA100] =	vst v63  }
0x61: {  	_ = 	snop  }
0x62: {  	[hbm4b:s10+s28] =	stream.linear.scatter [tilespmem:s22], [sflag:$0x2], $0x2000, $0x38;
	[tilespmem:$0xA100] =	vst v63  }
0x63: {  	_ =	swait.ge [sflag:s23], $0x4000  }
0x64: {  	[sflag:s23] =	ssyncset.done $0x0  }
0x65: {  	s29 =	simm.s32 $0x200;
	s28 =	simm.s32 $0x0;
	[sflag:s23] =	ssyncadd.s32 $0xFFFFC000  }
.LBB2_4:
0x66: {  	p0 =	sne.s32 s29, $0x7E00;
	v0 =	vld [tilespmem:s28+$0x8170]  }
0x67: {  	v1 =	vld [tilespmem:s28+$0x8100]  }
0x68: {  	v2 =	vld [tilespmem:s28+$0x8110]  }
0x69: {  	v3 =	vld [tilespmem:s28+$0x8120]  }
0x6a: {  	v4 =	vld [tilespmem:s28+$0x8130]  }
0x6b: {  	[tilespmem:s28+$0x6170] =	vst.add.f32.msk $0xffff, v0  }
0x6c: {  	v5 =	vld [tilespmem:s28+$0x8140]  }
0x6d: {  	v6 =	vld [tilespmem:s28+$0x8150]  }
0x6e: {  	v7 =	vld [tilespmem:s28+$0x8160]  }
0x6f: {  	[tilespmem:s28+$0x4100] =	vst.add.f32.msk $0xffff, v1  }
0x70: {  	[tilespmem:s28+$0x6100] =	vst.add.f32.msk $0xffff, v1  }
0x71: {  	[tilespmem:s28+$0x4110] =	vst.add.f32.msk $0xffff, v2  }
0x72: {  	[tilespmem:s28+$0x6110] =	vst.add.f32.msk $0xffff, v2  }
0x73: {  	[tilespmem:s28+$0x4120] =	vst.add.f32.msk $0xffff, v3  }
0x74: {  	[tilespmem:s28+$0x6120] =	vst.add.f32.msk $0xffff, v3  }
0x75: {  	[tilespmem:s28+$0x4130] =	vst.add.f32.msk $0xffff, v4  }
0x76: {  	[tilespmem:s28+$0x6130] =	vst.add.f32.msk $0xffff, v4  }
0x77: {  	[tilespmem:s28+$0x4140] =	vst.add.f32.msk $0xffff, v5  }
0x78: {  	[tilespmem:s28+$0x6140] =	vst.add.f32.msk $0xffff, v5  }
.Ltmp1:
0x79: {  	[tilespmem:s28+$0x4150] =	vst.add.f32.msk $0xffff, v6;
	(pc) =	sbr.rel @p0 .LBB2_4-.Ltmp1, $4  }
0x7a: {  	[tilespmem:s28+$0x6150] =	vst.add.f32.msk $0xffff, v6  }
0x7b: {  	[tilespmem:s28+$0x4160] =	vst.add.f32.msk $0xffff, v7  }
0x7c: {  	[tilespmem:s28+$0x6160] =	vst.add.f32.msk $0xffff, v7  }
0x7d: {  	[tilespmem:s28+$0x4170] =	vst.add.f32.msk $0xffff, v0;
	s28 =	sshra.s32 s29, $0x2;
	s29 =	sadd.s32 $0x200, s29  }
0x7e: {  	v0 =	vld [tilespmem:s28+$0x8170]  }
0x7f: {  	v1 =	vld [tilespmem:s28+$0x8100]  }
0x80: {  	v2 =	vld [tilespmem:s28+$0x8110]  }
0x81: {  	v3 =	vld [tilespmem:s28+$0x8120]  }
0x82: {  	v4 =	vld [tilespmem:s28+$0x8130]  }
0x83: {  	v5 =	vld [tilespmem:s28+$0x8140]  }
0x84: {  	v6 =	vld [tilespmem:s28+$0x8150]  }
0x85: {  	v7 =	vld [tilespmem:s28+$0x8160]  }
0x86: {  	[tilespmem:s28+$0x6170] =	vst.add.f32.msk $0xffff, v0  }
0x87: {  	[tilespmem:s28+$0x4100] =	vst.add.f32.msk $0xffff, v1  }
0x88: {  	[tilespmem:s28+$0x6100] =	vst.add.f32.msk $0xffff, v1  }
0x89: {  	[tilespmem:s28+$0x4110] =	vst.add.f32.msk $0xffff, v2  }
0x8a: {  	[tilespmem:s28+$0x6110] =	vst.add.f32.msk $0xffff, v2  }
0x8b: {  	[tilespmem:s28+$0x4120] =	vst.add.f32.msk $0xffff, v3  }
0x8c: {  	[tilespmem:s28+$0x6120] =	vst.add.f32.msk $0xffff, v3  }
0x8d: {  	[tilespmem:s28+$0x4130] =	vst.add.f32.msk $0xffff, v4  }
0x8e: {  	[tilespmem:s28+$0x6130] =	vst.add.f32.msk $0xffff, v4  }
0x8f: {  	[tilespmem:s28+$0x4140] =	vst.add.f32.msk $0xffff, v5  }
0x90: {  	[tilespmem:s28+$0x6140] =	vst.add.f32.msk $0xffff, v5  }
0x91: {  	[tilespmem:s28+$0x4150] =	vst.add.f32.msk $0xffff, v6  }
0x92: {  	[tilespmem:s28+$0x6150] =	vst.add.f32.msk $0xffff, v6  }
0x93: {  	[tilespmem:s28+$0x4160] =	vst.add.f32.msk $0xffff, v7  }
0x94: {  	[tilespmem:s28+$0x6160] =	vst.add.f32.msk $0xffff, v7  }
0x95: {  	[tilespmem:s28+$0x4170] =	vst.add.f32.msk $0xffff, v0  }
0x96: {  	[hbm4b:s11+s3] =	stream.linear.scatter [tilespmem:s20], [sflag:$0x2], $0x2000, $0x38;
	[tilespmem:$0xA100] =	vst v63  }
0x97: {  	_ = 	snop  }
0x98: {  	[hbm4b:s12+s3] =	stream.linear.scatter [tilespmem:s24], [sflag:$0x2], $0x2000, $0x38;
	[tilespmem:$0xA100] =	vst v63  }
0x99: {  	_ =	swait.ge [sflag:s25], $0x2000  }
0x9a: {  	[sflag:s25] =	ssyncset.done $0x0  }
0x9b: {  	[sflag:s25] =	ssyncadd.s32 $0xFFFFE000  }
0x9c: {  	_ =	swait.ge [sflag:s25], $0x2000  }
0x9d: {  	[sflag:s25] =	ssyncset.done $0x0  }
0x9e: {  	s26 =	sadd.s32 $0x1, s26;
	[sflag:s25] =	ssyncadd.s32 $0xFFFFE000  }
0x9f: {  	p0 =	sne.s32 s26, s13;
	_ =	swait.ge [sflag:s25], $0x2000  }
.Ltmp2:
0xa0: {  	[sflag:s25] =	ssyncset.done $0x0;
	(pc) =	sbr.rel @p0 .LBB2_1-.Ltmp2, $4  }
0xa1: {  	[sflag:s25] =	ssyncadd.s32 $0xFFFFE000  }
0xa2: {  	_ =	swait.ge [sflag:s25], $0x2000  }
0xa3: {  	[sflag:s25] =	ssyncset.done $0x0  }
0xa4: {  	[sflag:s25] =	ssyncadd.s32 $0xFFFFE000  }
0xa5: {  	_ =	sfence.sel $0x180000  }
0xa6: {  	[bflag:$0x0] =	sbarrier.arrive $0xFFFF  }
0xa7: {  	p0 =	sne.s32 s0, $0x0;
	_ =	strace $0x90000047  }
0xa8: {  	s0 =	sadd.s32 @!p0 $0x100000, s2;
	[bflag:$0x2] =	sbarrier.arrive $0xFFFF  }
0xa9: {  	[sflag:s0] =	ssyncadd.tile.s32 @!p0 $0x1;
	_ =	shalt  }
.Lfunc_end2:
_tile_overlayer_lowered:
.L_overlay_start_2:
0xaa: {  	(tag) =	ssettag $0x2  }
0xab: {  	s0 =	rddreg [dreg:$0x0];
	s2 =	stileid.u32  }
0xac: {  	s1 =	rddreg [dreg:$0x1];
	p0 =	sne.s32 s2, $0x0  }
0xad: {  	s3 =	rddreg [dreg:$0x2];
	[bflag:$0x3] =	sbarrier.arrive $0xFFFF;
	s2 =	simm.s32 @!p0 $0x1C05  }
0xae: {  	[timem:s3], [sflag:s2] =	dma.local @!p0 [hbm:s0], s1  }
0xaf: {  	s0 =	simm.s32 @!p0 $0x5  }
0xb0: {  	_ =	swait.ge @!p0 [sflag:s0], s1  }
0xb1: {  	s1 =	ssub.s32 @!p0 $0x0, s1;
	[sflag:s0] =	ssyncset.done @!p0 $0x0  }
0xb2: {  	[sflag:s0] =	ssyncadd.s32 @!p0 s1  }
0xb3: {  	[bflag:$0x3] =	sbarrier.arrive $0xFFFF  }
0xb4: {  	_ =	shalt  }

</sc_bundles>
